<compile_context>
chip_gen: v7x
topology: tpu7x:2x2x1
jax: 0.10.2.dev20260603
libtpu: 0.0.44.dev20260713+nightly
codegen_flags: <defaults>
</compile_context>

<pallas_src>
import functools

import jax
import jax.numpy as jnp
from jax import lax
from jax.experimental import pallas as pl
from jax.experimental.pallas import tpu as pltpu
from jax.experimental.pallas import tpu_sc as plsc

_LANES = 16
_NUM_WORKERS = 32
_NSC = 16
_CHUNK = 3200
_NSUB = 2


@functools.lru_cache(maxsize=None)
def _build_impl(E: int, V: int):
    V_pad = -(V // -128) * 128
    E_pad = -(E // -128) * 128
    per_w = _NSUB * _CHUNK
    last_base = E_pad - per_w
    step = -(last_base // -(128 * (_NUM_WORKERS - 1))) * 128
    assert step <= per_w and (_NUM_WORKERS - 2) * step + per_w >= last_base
    stripe = V_pad // _NSC
    assert stripe % 8 == 0

    mesh = plsc.VectorSubcoreMesh(core_axis_name="c", subcore_axis_name="s")

    in_block = lambda dt: pltpu.VMEM((3 * _CHUNK,), dt)

    @functools.partial(
        pl.kernel,
        out_type=jax.ShapeDtypeStruct((2 * E_pad,), jnp.float32),
        mesh=mesh,
        compiler_params=pltpu.CompilerParams(needs_layout_passes=False),
        scratch_types=[
            pltpu.VMEM_SHARED((V_pad,), jnp.float32),
            [in_block(jnp.int32) for _ in range(2)],
            [in_block(jnp.float32) for _ in range(2)],
            [in_block(jnp.float32) for _ in range(2)],
            [in_block(jnp.float32) for _ in range(2)],
            [pltpu.VMEM((2 * _CHUNK,), jnp.float32) for _ in range(2)],
            pltpu.VMEM((stripe,), jnp.float32),
            [pltpu.SemaphoreType.DMA for _ in range(2)],
            [pltpu.SemaphoreType.DMA for _ in range(2)],
            [pltpu.SemaphoreType.DMA for _ in range(2)],
        ],
    )
    def _impl(field_hbm, el_hbm, wx_hbm, wy_hbm, out_hbm,
              field_sh, el_v, wx_v, wy_v, f_v, out_v, stage_v,
              sem_in, sem_fg, sem_out):
        cid = lax.axis_index("c")
        sid = lax.axis_index("s")
        wid = (sid * 2 + cid).astype(jnp.int32)
        base_w = jnp.minimum(wid * step, last_base)

        def issue_in(s, b):
            sc_base = base_w + s * _CHUNK
            hs = []
            for arr_hbm, arr_v in ((el_hbm, el_v), (wx_hbm, wx_v), (wy_hbm, wy_v)):
                for k in range(3):
                    hs.append(pltpu.async_copy(
                        arr_hbm.at[pl.ds(k * E + sc_base, _CHUNK)],
                        arr_v[b].at[pl.ds(k * _CHUNK, _CHUNK)],
                        sem_in[b]))
            return hs

        pend_in = {0: issue_in(0, 0)}
        if _NSUB > 1:
            pend_in[1] = issue_in(1, 1)

        s_lo = sid * stripe
        pltpu.sync_copy(field_hbm.at[pl.ds(s_lo, stripe)], stage_v)
        pltpu.sync_copy(stage_v, field_sh.at[pl.ds(s_lo, stripe)])
        plsc.subcore_barrier()

        def fixup_tail(s, b):
            sc_base = base_w + s * _CHUNK
            @pl.when(sc_base + _CHUNK > E)
            def _():
                hi = jnp.full((_LANES,), V - 1, jnp.int32)
                lo = jnp.zeros((_LANES,), jnp.int32)
                for k in range(3):
                    for u in range(8):
                        o = k * _CHUNK + _CHUNK - 128 + u * _LANES
                        el_v[b][pl.ds(o, _LANES)] = jnp.minimum(
                            jnp.maximum(el_v[b][pl.ds(o, _LANES)], lo), hi)

        def issue_gather(s, b):
            hs = []
            for k in range(3):
                hs.append(pltpu.async_copy(
                    field_sh.at[el_v[b].at[pl.ds(k * _CHUNK, _CHUNK)]],
                    f_v[b].at[pl.ds(k * _CHUNK, _CHUNK)],
                    sem_fg[b]))
            return hs

        for h in pend_in.pop(0):
            h.wait()
        fixup_tail(0, 0)
        pend_fg = {0: issue_gather(0, 0)}
        pend_out = {}

        for s in range(_NSUB):
            b = s % 2
            if s + 1 < _NSUB:
                nb = (s + 1) % 2
                for h in pend_in.pop(s + 1):
                    h.wait()
                fixup_tail(s + 1, nb)
                pend_fg[s + 1] = issue_gather(s + 1, nb)
            for h in pend_fg.pop(s):
                h.wait()
            if s >= 2:
                pend_out.pop(s - 2).wait()

            def body(g, _, b=b):
                for u in range(8):
                    o = g * 128 + u * _LANES
                    f0 = f_v[b][pl.ds(o, _LANES)]
                    f1 = f_v[b][pl.ds(_CHUNK + o, _LANES)]
                    f2 = f_v[b][pl.ds(2 * _CHUNK + o, _LANES)]
                    gx = (wx_v[b][pl.ds(o, _LANES)] * f0
                          + wx_v[b][pl.ds(_CHUNK + o, _LANES)] * f1
                          + wx_v[b][pl.ds(2 * _CHUNK + o, _LANES)] * f2)
                    gy = (wy_v[b][pl.ds(o, _LANES)] * f0
                          + wy_v[b][pl.ds(_CHUNK + o, _LANES)] * f1
                          + wy_v[b][pl.ds(2 * _CHUNK + o, _LANES)] * f2)
                    d = g * 256 + u * _LANES
                    out_v[b][pl.ds(d, _LANES)] = gx
                    out_v[b][pl.ds(d + 128, _LANES)] = gy
                return 0

            lax.fori_loop(0, _CHUNK // 128, body, 0)

            sc_base = base_w + s * _CHUNK
            pend_out[s] = pltpu.async_copy(
                out_v[b], out_hbm.at[pl.ds(2 * sc_base, 2 * _CHUNK)], sem_out[b])
            if s + 2 < _NSUB:
                pend_in[s + 2] = issue_in(s + 2, b)

        for s, h in sorted(pend_out.items()):
            h.wait()

    return _impl


def kernel(field, wx, wy, elements):
    V = field.shape[0]
    E = elements.shape[0]
    E_pad = -(E // -128) * 128
    elT = elements.astype(jnp.int32).T.reshape(-1)
    wxT = wx.T.reshape(-1)
    wyT = wy.T.reshape(-1)
    impl = _build_impl(E, V)
    out = impl(field, elT, wxT, wyT)
    return out.reshape(E_pad // 128, 2, 128).transpose(0, 2, 1).reshape(E_pad, 2)[:E]

# --- scband reference (transcript-rebuilt; emitter-appended) ---
"""Pipeline reference for scband-gradient-operator-33303176413247 (READ-ONLY COPY).

The authoritative reference and input builder live on the scoring server;
editing this copy changes nothing except your own understanding.
"""

import jax, jax.numpy as jnp
import numpy as np


def _build_mesh(nx=317):
    xs = np.linspace(0.0, 1.0, nx)
    X, Y = np.meshgrid(xs, xs, indexing="ij")
    vertices = np.stack([X.ravel(), Y.ravel()], axis=1).astype(np.float32)
    idx = np.arange(nx * nx).reshape(nx, nx)
    v00 = idx[:-1, :-1].ravel()
    v01 = idx[:-1, 1:].ravel()
    v10 = idx[1:, :-1].ravel()
    v11 = idx[1:, 1:].ravel()
    t1 = np.stack([v00, v10, v11], axis=1)
    t2 = np.stack([v00, v11, v01], axis=1)
    elements = np.concatenate([t1, t2], axis=0).astype(np.int64)
    return vertices, elements


def _grad_weights(vertices, elements):
    # Mirrors GradientOperator._build_operator / _compute_element_gradients
    v = vertices[elements]  # [E, 3, 2]
    v0, v1, v2 = v[:, 0], v[:, 1], v[:, 2]
    area = 0.5 * np.abs((v1[:, 0] - v0[:, 0]) * (v2[:, 1] - v0[:, 1])
                        - (v1[:, 1] - v0[:, 1]) * (v2[:, 0] - v0[:, 0]))
    denom = (2.0 * area)[:, None]
    wx = np.stack([v2[:, 1] - v1[:, 1], v0[:, 1] - v2[:, 1], v1[:, 1] - v0[:, 1]], axis=1) / denom / 3.0
    wy = np.stack([v1[:, 0] - v2[:, 0], v2[:, 0] - v0[:, 0], v0[:, 0] - v1[:, 0]], axis=1) / denom / 3.0
    return wx.astype(np.float32), wy.astype(np.float32)


def setup_inputs(seed: int = 0) -> dict:
    key = jax.random.key(seed)
    vertices, elements = _build_mesh(317)  # 100489 vertices, 199712 triangles
    wx, wy = _grad_weights(vertices, elements)  # operator values (constants, built at init)
    field = jax.random.normal(key, (vertices.shape[0],), dtype=jnp.float32)
    return {
        "field": field,
        "wx": jnp.asarray(wx),
        "wy": jnp.asarray(wy),
        "elements": jnp.asarray(elements),
    }


def reference(field, wx, wy, elements):
    # torch.sparse.mm(grad_matrix, field) per dim == gather vertex field values
    # at each element's 3 vertices and take the weighted sum with the
    # precomputed per-element gradient weights.
    f = jnp.take(field, elements, axis=0)  # [E, 3] gather (SparseCore-friendly)
    gx = jnp.sum(wx * f, axis=1)  # [E]
    gy = jnp.sum(wy * f, axis=1)  # [E]
    return jnp.stack([gx, gy], axis=1)  # [E, 2]

if __name__ == "__main__":
    import jax
    _d = setup_inputs()
    print(jax.jit(kernel)(*tuple(_d.values())))

</pallas_src>

<mosaic_0001>
#map = affine_map<(d0, d1) -> (0)>
module attributes {stable_mosaic.version = 14 : i64} {
  func.func @_impl(%arg0: i32, %arg1: i32, %arg2: memref<100489xf32, #tpu.memory_space<hbm>>, %arg3: memref<599136xi32, #tpu.memory_space<hbm>>, %arg4: memref<599136xf32, #tpu.memory_space<hbm>>, %arg5: memref<599136xf32, #tpu.memory_space<hbm>>, %arg6: memref<399616xf32, #tpu.memory_space<hbm>>, %arg7: memref<100608xf32, #tpu.memory_space<vmem_shared>>, %arg8: memref<9600xi32, #tpu.memory_space<vmem>>, %arg9: memref<9600xi32, #tpu.memory_space<vmem>>, %arg10: memref<9600xf32, #tpu.memory_space<vmem>>, %arg11: memref<9600xf32, #tpu.memory_space<vmem>>, %arg12: memref<9600xf32, #tpu.memory_space<vmem>>, %arg13: memref<9600xf32, #tpu.memory_space<vmem>>, %arg14: memref<9600xf32, #tpu.memory_space<vmem>>, %arg15: memref<9600xf32, #tpu.memory_space<vmem>>, %arg16: memref<6400xf32, #tpu.memory_space<vmem>>, %arg17: memref<6400xf32, #tpu.memory_space<vmem>>, %arg18: memref<6288xf32, #tpu.memory_space<vmem>>, %arg19: memref<!tpu.dma_semaphore, #tpu.memory_space<semaphore_mem>>, %arg20: memref<!tpu.dma_semaphore, #tpu.memory_space<semaphore_mem>>, %arg21: memref<!tpu.dma_semaphore, #tpu.memory_space<semaphore_mem>>, %arg22: memref<!tpu.dma_semaphore, #tpu.memory_space<semaphore_mem>>, %arg23: memref<!tpu.dma_semaphore, #tpu.memory_space<semaphore_mem>>, %arg24: memref<!tpu.dma_semaphore, #tpu.memory_space<semaphore_mem>>) attributes {dimension_semantics = [#tpu.dimension_semantics<core_parallel>, #tpu.dimension_semantics<subcore_parallel>], iteration_bounds = array<i64: 2, 16>, scalar_prefetch = 0 : i64, scratch_operands = 18 : i64, tpu.core_type = #tpu.core_type<sc_vector_subcore>, window_params = [{transform_indices = #map}, {transform_indices = #map}, {transform_indices = #map}, {transform_indices = #map}, {transform_indices = #map}]} {
    %mul3A = arith.constant 2 : i32
    %mul3A_0 = arith.muli %arg1, %mul3A : i32
    %add3A = arith.addi %mul3A_0, %arg0 : i32
    %mul3A_1 = arith.constant 6272 : i32
    %mul3A_2 = arith.muli %add3A, %mul3A_1 : i32
    %min3A = arith.constant 193408 : i32
    %min3A_3 = arith.minsi %mul3A_2, %min3A : i32
    %add3A_4 = arith.constant 0 : i32
    %add3A_5 = arith.addi %min3A_3, %add3A_4 : i32
    %add3A_6 = arith.constant 0 : i32
    %add3A_7 = arith.addi %add3A_6, %add3A_5 : i32
    %dma_start3A = arith.constant 0 : i32
    %dma_start3A_8 = tpu.memref_slice %arg8[%dma_start3A] : memref<9600xi32, #tpu.memory_space<vmem>> -> memref<3200xi32, #tpu.memory_space<vmem>>
    %dma_start3A_9 = tpu.memref_slice %arg3[%add3A_7] : memref<599136xi32, #tpu.memory_space<hbm>> -> memref<3200xi32, #tpu.memory_space<hbm>>
    %dma_start3A_10 = arith.constant 0 : i32
    %dma_start3A_11 = tpu.memref_slice %arg8[%dma_start3A_10] : memref<9600xi32, #tpu.memory_space<vmem>> -> memref<3200xi32, #tpu.memory_space<vmem>>
    %dma_start3A_12 = tpu.memref_slice %arg3[%add3A_7] : memref<599136xi32, #tpu.memory_space<hbm>> -> memref<3200xi32, #tpu.memory_space<hbm>>
    tpu.enqueue_dma source(%dma_start3A_12 : memref<3200xi32, #tpu.memory_space<hbm>>) target(%dma_start3A_11 : memref<3200xi32, #tpu.memory_space<vmem>>) target_semaphore(%arg19 : memref<!tpu.dma_semaphore, #tpu.memory_space<semaphore_mem>>)
    %add3A_13 = arith.constant 199712 : i32
    %add3A_14 = arith.addi %add3A_13, %add3A_5 : i32
    %dma_start3A_15 = arith.constant 3200 : i32
    %dma_start3A_16 = tpu.memref_slice %arg8[%dma_start3A_15] : memref<9600xi32, #tpu.memory_space<vmem>> -> memref<3200xi32, #tpu.memory_space<vmem>>
    %dma_start3A_17 = tpu.memref_slice %arg3[%add3A_14] : memref<599136xi32, #tpu.memory_space<hbm>> -> memref<3200xi32, #tpu.memory_space<hbm>>
    %dma_start3A_18 = arith.constant 3200 : i32
    %dma_start3A_19 = tpu.memref_slice %arg8[%dma_start3A_18] : memref<9600xi32, #tpu.memory_space<vmem>> -> memref<3200xi32, #tpu.memory_space<vmem>>
    %dma_start3A_20 = tpu.memref_slice %arg3[%add3A_14] : memref<599136xi32, #tpu.memory_space<hbm>> -> memref<3200xi32, #tpu.memory_space<hbm>>
    tpu.enqueue_dma source(%dma_start3A_20 : memref<3200xi32, #tpu.memory_space<hbm>>) target(%dma_start3A_19 : memref<3200xi32, #tpu.memory_space<vmem>>) target_semaphore(%arg19 : memref<!tpu.dma_semaphore, #tpu.memory_space<semaphore_mem>>)
    %add3A_21 = arith.constant 399424 : i32
    %add3A_22 = arith.addi %add3A_21, %add3A_5 : i32
    %dma_start3A_23 = arith.constant 6400 : i32
    %dma_start3A_24 = tpu.memref_slice %arg8[%dma_start3A_23] : memref<9600xi32, #tpu.memory_space<vmem>> -> memref<3200xi32, #tpu.memory_space<vmem>>
    %dma_start3A_25 = tpu.memref_slice %arg3[%add3A_22] : memref<599136xi32, #tpu.memory_space<hbm>> -> memref<3200xi32, #tpu.memory_space<hbm>>
    %dma_start3A_26 = arith.constant 6400 : i32
    %dma_start3A_27 = tpu.memref_slice %arg8[%dma_start3A_26] : memref<9600xi32, #tpu.memory_space<vmem>> -> memref<3200xi32, #tpu.memory_space<vmem>>
    %dma_start3A_28 = tpu.memref_slice %arg3[%add3A_22] : memref<599136xi32, #tpu.memory_space<hbm>> -> memref<3200xi32, #tpu.memory_space<hbm>>
    tpu.enqueue_dma source(%dma_start3A_28 : memref<3200xi32, #tpu.memory_space<hbm>>) target(%dma_start3A_27 : memref<3200xi32, #tpu.memory_space<vmem>>) target_semaphore(%arg19 : memref<!tpu.dma_semaphore, #tpu.memory_space<semaphore_mem>>)
    %add3A_29 = arith.constant 0 : i32
    %add3A_30 = arith.addi %add3A_29, %add3A_5 : i32
    %dma_start3A_31 = arith.constant 0 : i32
    %dma_start3A_32 = tpu.memref_slice %arg10[%dma_start3A_31] : memref<9600xf32, #tpu.memory_space<vmem>> -> memref<3200xf32, #tpu.memory_space<vmem>>
    %dma_start3A_33 = tpu.memref_slice %arg4[%add3A_30] : memref<599136xf32, #tpu.memory_space<hbm>> -> memref<3200xf32, #tpu.memory_space<hbm>>
    %dma_start3A_34 = arith.constant 0 : i32
    %dma_start3A_35 = tpu.memref_slice %arg10[%dma_start3A_34] : memref<9600xf32, #tpu.memory_space<vmem>> -> memref<3200xf32, #tpu.memory_space<vmem>>
    %dma_start3A_36 = tpu.memref_slice %arg4[%add3A_30] : memref<599136xf32, #tpu.memory_space<hbm>> -> memref<3200xf32, #tpu.memory_space<hbm>>
    tpu.enqueue_dma source(%dma_start3A_36 : memref<3200xf32, #tpu.memory_space<hbm>>) target(%dma_start3A_35 : memref<3200xf32, #tpu.memory_space<vmem>>) target_semaphore(%arg19 : memref<!tpu.dma_semaphore, #tpu.memory_space<semaphore_mem>>)
    %add3A_37 = arith.constant 199712 : i32
    %add3A_38 = arith.addi %add3A_37, %add3A_5 : i32
    %dma_start3A_39 = arith.constant 3200 : i32
    %dma_start3A_40 = tpu.memref_slice %arg10[%dma_start3A_39] : memref<9600xf32, #tpu.memory_space<vmem>> -> memref<3200xf32, #tpu.memory_space<vmem>>
    %dma_start3A_41 = tpu.memref_slice %arg4[%add3A_38] : memref<599136xf32, #tpu.memory_space<hbm>> -> memref<3200xf32, #tpu.memory_space<hbm>>
    %dma_start3A_42 = arith.constant 3200 : i32
    %dma_start3A_43 = tpu.memref_slice %arg10[%dma_start3A_42] : memref<9600xf32, #tpu.memory_space<vmem>> -> memref<3200xf32, #tpu.memory_space<vmem>>
    %dma_start3A_44 = tpu.memref_slice %arg4[%add3A_38] : memref<599136xf32, #tpu.memory_space<hbm>> -> memref<3200xf32, #tpu.memory_space<hbm>>
    tpu.enqueue_dma source(%dma_start3A_44 : memref<3200xf32, #tpu.memory_space<hbm>>) target(%dma_start3A_43 : memref<3200xf32, #tpu.memory_space<vmem>>) target_semaphore(%arg19 : memref<!tpu.dma_semaphore, #tpu.memory_space<semaphore_mem>>)
    %add3A_45 = arith.constant 399424 : i32
    %add3A_46 = arith.addi %add3A_45, %add3A_5 : i32
    %dma_start3A_47 = arith.constant 6400 : i32
    %dma_start3A_48 = tpu.memref_slice %arg10[%dma_start3A_47] : memref<9600xf32, #tpu.memory_space<vmem>> -> memref<3200xf32, #tpu.memory_space<vmem>>
    %dma_start3A_49 = tpu.memref_slice %arg4[%add3A_46] : memref<599136xf32, #tpu.memory_space<hbm>> -> memref<3200xf32, #tpu.memory_space<hbm>>
    %dma_start3A_50 = arith.constant 6400 : i32
    %dma_start3A_51 = tpu.memref_slice %arg10[%dma_start3A_50] : memref<9600xf32, #tpu.memory_space<vmem>> -> memref<3200xf32, #tpu.memory_space<vmem>>
    %dma_start3A_52 = tpu.memref_slice %arg4[%add3A_46] : memref<599136xf32, #tpu.memory_space<hbm>> -> memref<3200xf32, #tpu.memory_space<hbm>>
    tpu.enqueue_dma source(%dma_start3A_52 : memref<3200xf32, #tpu.memory_space<hbm>>) target(%dma_start3A_51 : memref<3200xf32, #tpu.memory_space<vmem>>) target_semaphore(%arg19 : memref<!tpu.dma_semaphore, #tpu.memory_space<semaphore_mem>>)
    %add3A_53 = arith.constant 0 : i32
    %add3A_54 = arith.addi %add3A_53, %add3A_5 : i32
    %dma_start3A_55 = arith.constant 0 : i32
    %dma_start3A_56 = tpu.memref_slice %arg12[%dma_start3A_55] : memref<9600xf32, #tpu.memory_space<vmem>> -> memref<3200xf32, #tpu.memory_space<vmem>>
    %dma_start3A_57 = tpu.memref_slice %arg5[%add3A_54] : memref<599136xf32, #tpu.memory_space<hbm>> -> memref<3200xf32, #tpu.memory_space<hbm>>
    %dma_start3A_58 = arith.constant 0 : i32
    %dma_start3A_59 = tpu.memref_slice %arg12[%dma_start3A_58] : memref<9600xf32, #tpu.memory_space<vmem>> -> memref<3200xf32, #tpu.memory_space<vmem>>
    %dma_start3A_60 = tpu.memref_slice %arg5[%add3A_54] : memref<599136xf32, #tpu.memory_space<hbm>> -> memref<3200xf32, #tpu.memory_space<hbm>>
    tpu.enqueue_dma source(%dma_start3A_60 : memref<3200xf32, #tpu.memory_space<hbm>>) target(%dma_start3A_59 : memref<3200xf32, #tpu.memory_space<vmem>>) target_semaphore(%arg19 : memref<!tpu.dma_semaphore, #tpu.memory_space<semaphore_mem>>)
    %add3A_61 = arith.constant 199712 : i32
    %add3A_62 = arith.addi %add3A_61, %add3A_5 : i32
    %dma_start3A_63 = arith.constant 3200 : i32
    %dma_start3A_64 = tpu.memref_slice %arg12[%dma_start3A_63] : memref<9600xf32, #tpu.memory_space<vmem>> -> memref<3200xf32, #tpu.memory_space<vmem>>
    %dma_start3A_65 = tpu.memref_slice %arg5[%add3A_62] : memref<599136xf32, #tpu.memory_space<hbm>> -> memref<3200xf32, #tpu.memory_space<hbm>>
    %dma_start3A_66 = arith.constant 3200 : i32
    %dma_start3A_67 = tpu.memref_slice %arg12[%dma_start3A_66] : memref<9600xf32, #tpu.memory_space<vmem>> -> memref<3200xf32, #tpu.memory_space<vmem>>
    %dma_start3A_68 = tpu.memref_slice %arg5[%add3A_62] : memref<599136xf32, #tpu.memory_space<hbm>> -> memref<3200xf32, #tpu.memory_space<hbm>>
    tpu.enqueue_dma source(%dma_start3A_68 : memref<3200xf32, #tpu.memory_space<hbm>>) target(%dma_start3A_67 : memref<3200xf32, #tpu.memory_space<vmem>>) target_semaphore(%arg19 : memref<!tpu.dma_semaphore, #tpu.memory_space<semaphore_mem>>)
    %add3A_69 = arith.constant 399424 : i32
    %add3A_70 = arith.addi %add3A_69, %add3A_5 : i32
    %dma_start3A_71 = arith.constant 6400 : i32
    %dma_start3A_72 = tpu.memref_slice %arg12[%dma_start3A_71] : memref<9600xf32, #tpu.memory_space<vmem>> -> memref<3200xf32, #tpu.memory_space<vmem>>
    %dma_start3A_73 = tpu.memref_slice %arg5[%add3A_70] : memref<599136xf32, #tpu.memory_space<hbm>> -> memref<3200xf32, #tpu.memory_space<hbm>>
    %dma_start3A_74 = arith.constant 6400 : i32
    %dma_start3A_75 = tpu.memref_slice %arg12[%dma_start3A_74] : memref<9600xf32, #tpu.memory_space<vmem>> -> memref<3200xf32, #tpu.memory_space<vmem>>
    %dma_start3A_76 = tpu.memref_slice %arg5[%add3A_70] : memref<599136xf32, #tpu.memory_space<hbm>> -> memref<3200xf32, #tpu.memory_space<hbm>>
    tpu.enqueue_dma source(%dma_start3A_76 : memref<3200xf32, #tpu.memory_space<hbm>>) target(%dma_start3A_75 : memref<3200xf32, #tpu.memory_space<vmem>>) target_semaphore(%arg19 : memref<!tpu.dma_semaphore, #tpu.memory_space<semaphore_mem>>)
    %add3A_77 = arith.constant 3200 : i32
    %add3A_78 = arith.addi %min3A_3, %add3A_77 : i32
    %add3A_79 = arith.constant 0 : i32
    %add3A_80 = arith.addi %add3A_79, %add3A_78 : i32
    %dma_start3A_81 = arith.constant 0 : i32
    %dma_start3A_82 = tpu.memref_slice %arg9[%dma_start3A_81] : memref<9600xi32, #tpu.memory_space<vmem>> -> memref<3200xi32, #tpu.memory_space<vmem>>
    %dma_start3A_83 = tpu.memref_slice %arg3[%add3A_80] : memref<599136xi32, #tpu.memory_space<hbm>> -> memref<3200xi32, #tpu.memory_space<hbm>>
    %dma_start3A_84 = arith.constant 0 : i32
    %dma_start3A_85 = tpu.memref_slice %arg9[%dma_start3A_84] : memref<9600xi32, #tpu.memory_space<vmem>> -> memref<3200xi32, #tpu.memory_space<vmem>>
    %dma_start3A_86 = tpu.memref_slice %arg3[%add3A_80] : memref<599136xi32, #tpu.memory_space<hbm>> -> memref<3200xi32, #tpu.memory_space<hbm>>
    tpu.enqueue_dma source(%dma_start3A_86 : memref<3200xi32, #tpu.memory_space<hbm>>) target(%dma_start3A_85 : memref<3200xi32, #tpu.memory_space<vmem>>) target_semaphore(%arg20 : memref<!tpu.dma_semaphore, #tpu.memory_space<semaphore_mem>>)
    %add3A_87 = arith.constant 199712 : i32
    %add3A_88 = arith.addi %add3A_87, %add3A_78 : i32
    %dma_start3A_89 = arith.constant 3200 : i32
    %dma_start3A_90 = tpu.memref_slice %arg9[%dma_start3A_89] : memref<9600xi32, #tpu.memory_space<vmem>> -> memref<3200xi32, #tpu.memory_space<vmem>>
    %dma_start3A_91 = tpu.memref_slice %arg3[%add3A_88] : memref<599136xi32, #tpu.memory_space<hbm>> -> memref<3200xi32, #tpu.memory_space<hbm>>
    %dma_start3A_92 = arith.constant 3200 : i32
    %dma_start3A_93 = tpu.memref_slice %arg9[%dma_start3A_92] : memref<9600xi32, #tpu.memory_space<vmem>> -> memref<3200xi32, #tpu.memory_space<vmem>>
    %dma_start3A_94 = tpu.memref_slice %arg3[%add3A_88] : memref<599136xi32, #tpu.memory_space<hbm>> -> memref<3200xi32, #tpu.memory_space<hbm>>
    tpu.enqueue_dma source(%dma_start3A_94 : memref<3200xi32, #tpu.memory_space<hbm>>) target(%dma_start3A_93 : memref<3200xi32, #tpu.memory_space<vmem>>) target_semaphore(%arg20 : memref<!tpu.dma_semaphore, #tpu.memory_space<semaphore_mem>>)
    %add3A_95 = arith.constant 399424 : i32
    %add3A_96 = arith.addi %add3A_95, %add3A_78 : i32
    %dma_start3A_97 = arith.constant 6400 : i32
    %dma_start3A_98 = tpu.memref_slice %arg9[%dma_start3A_97] : memref<9600xi32, #tpu.memory_space<vmem>> -> memref<3200xi32, #tpu.memory_space<vmem>>
    %dma_start3A_99 = tpu.memref_slice %arg3[%add3A_96] : memref<599136xi32, #tpu.memory_space<hbm>> -> memref<3200xi32, #tpu.memory_space<hbm>>
    %dma_start3A_100 = arith.constant 6400 : i32
    %dma_start3A_101 = tpu.memref_slice %arg9[%dma_start3A_100] : memref<9600xi32, #tpu.memory_space<vmem>> -> memref<3200xi32, #tpu.memory_space<vmem>>
    %dma_start3A_102 = tpu.memref_slice %arg3[%add3A_96] : memref<599136xi32, #tpu.memory_space<hbm>> -> memref<3200xi32, #tpu.memory_space<hbm>>
    tpu.enqueue_dma source(%dma_start3A_102 : memref<3200xi32, #tpu.memory_space<hbm>>) target(%dma_start3A_101 : memref<3200xi32, #tpu.memory_space<vmem>>) target_semaphore(%arg20 : memref<!tpu.dma_semaphore, #tpu.memory_space<semaphore_mem>>)
    %add3A_103 = arith.constant 0 : i32
    %add3A_104 = arith.addi %add3A_103, %add3A_78 : i32
    %dma_start3A_105 = arith.constant 0 : i32
    %dma_start3A_106 = tpu.memref_slice %arg11[%dma_start3A_105] : memref<9600xf32, #tpu.memory_space<vmem>> -> memref<3200xf32, #tpu.memory_space<vmem>>
    %dma_start3A_107 = tpu.memref_slice %arg4[%add3A_104] : memref<599136xf32, #tpu.memory_space<hbm>> -> memref<3200xf32, #tpu.memory_space<hbm>>
    %dma_start3A_108 = arith.constant 0 : i32
    %dma_start3A_109 = tpu.memref_slice %arg11[%dma_start3A_108] : memref<9600xf32, #tpu.memory_space<vmem>> -> memref<3200xf32, #tpu.memory_space<vmem>>
    %dma_start3A_110 = tpu.memref_slice %arg4[%add3A_104] : memref<599136xf32, #tpu.memory_space<hbm>> -> memref<3200xf32, #tpu.memory_space<hbm>>
    tpu.enqueue_dma source(%dma_start3A_110 : memref<3200xf32, #tpu.memory_space<hbm>>) target(%dma_start3A_109 : memref<3200xf32, #tpu.memory_space<vmem>>) target_semaphore(%arg20 : memref<!tpu.dma_semaphore, #tpu.memory_space<semaphore_mem>>)
    %add3A_111 = arith.constant 199712 : i32
    %add3A_112 = arith.addi %add3A_111, %add3A_78 : i32
    %dma_start3A_113 = arith.constant 3200 : i32
    %dma_start3A_114 = tpu.memref_slice %arg11[%dma_start3A_113] : memref<9600xf32, #tpu.memory_space<vmem>> -> memref<3200xf32, #tpu.memory_space<vmem>>
    %dma_start3A_115 = tpu.memref_slice %arg4[%add3A_112] : memref<599136xf32, #tpu.memory_space<hbm>> -> memref<3200xf32, #tpu.memory_space<hbm>>
    %dma_start3A_116 = arith.constant 3200 : i32
    %dma_start3A_117 = tpu.memref_slice %arg11[%dma_start3A_116] : memref<9600xf32, #tpu.memory_space<vmem>> -> memref<3200xf32, #tpu.memory_space<vmem>>
    %dma_start3A_118 = tpu.memref_slice %arg4[%add3A_112] : memref<599136xf32, #tpu.memory_space<hbm>> -> memref<3200xf32, #tpu.memory_space<hbm>>
    tpu.enqueue_dma source(%dma_start3A_118 : memref<3200xf32, #tpu.memory_space<hbm>>) target(%dma_start3A_117 : memref<3200xf32, #tpu.memory_space<vmem>>) target_semaphore(%arg20 : memref<!tpu.dma_semaphore, #tpu.memory_space<semaphore_mem>>)
    %add3A_119 = arith.constant 399424 : i32
    %add3A_120 = arith.addi %add3A_119, %add3A_78 : i32
    %dma_start3A_121 = arith.constant 6400 : i32
    %dma_start3A_122 = tpu.memref_slice %arg11[%dma_start3A_121] : memref<9600xf32, #tpu.memory_space<vmem>> -> memref<3200xf32, #tpu.memory_space<vmem>>
    %dma_start3A_123 = tpu.memref_slice %arg4[%add3A_120] : memref<599136xf32, #tpu.memory_space<hbm>> -> memref<3200xf32, #tpu.memory_space<hbm>>
    %dma_start3A_124 = arith.constant 6400 : i32
    %dma_start3A_125 = tpu.memref_slice %arg11[%dma_start3A_124] : memref<9600xf32, #tpu.memory_space<vmem>> -> memref<3200xf32, #tpu.memory_space<vmem>>
    %dma_start3A_126 = tpu.memref_slice %arg4[%add3A_120] : memref<599136xf32, #tpu.memory_space<hbm>> -> memref<3200xf32, #tpu.memory_space<hbm>>
    tpu.enqueue_dma source(%dma_start3A_126 : memref<3200xf32, #tpu.memory_space<hbm>>) target(%dma_start3A_125 : memref<3200xf32, #tpu.memory_space<vmem>>) target_semaphore(%arg20 : memref<!tpu.dma_semaphore, #tpu.memory_space<semaphore_mem>>)
    %add3A_127 = arith.constant 0 : i32
    %add3A_128 = arith.addi %add3A_127, %add3A_78 : i32
    %dma_start3A_129 = arith.constant 0 : i32
    %dma_start3A_130 = tpu.memref_slice %arg13[%dma_start3A_129] : memref<9600xf32, #tpu.memory_space<vmem>> -> memref<3200xf32, #tpu.memory_space<vmem>>
    %dma_start3A_131 = tpu.memref_slice %arg5[%add3A_128] : memref<599136xf32, #tpu.memory_space<hbm>> -> memref<3200xf32, #tpu.memory_space<hbm>>
    %dma_start3A_132 = arith.constant 0 : i32
    %dma_start3A_133 = tpu.memref_slice %arg13[%dma_start3A_132] : memref<9600xf32, #tpu.memory_space<vmem>> -> memref<3200xf32, #tpu.memory_space<vmem>>
    %dma_start3A_134 = tpu.memref_slice %arg5[%add3A_128] : memref<599136xf32, #tpu.memory_space<hbm>> -> memref<3200xf32, #tpu.memory_space<hbm>>
    tpu.enqueue_dma source(%dma_start3A_134 : memref<3200xf32, #tpu.memory_space<hbm>>) target(%dma_start3A_133 : memref<3200xf32, #tpu.memory_space<vmem>>) target_semaphore(%arg20 : memref<!tpu.dma_semaphore, #tpu.memory_space<semaphore_mem>>)
    %add3A_135 = arith.constant 199712 : i32
    %add3A_136 = arith.addi %add3A_135, %add3A_78 : i32
    %dma_start3A_137 = arith.constant 3200 : i32
    %dma_start3A_138 = tpu.memref_slice %arg13[%dma_start3A_137] : memref<9600xf32, #tpu.memory_space<vmem>> -> memref<3200xf32, #tpu.memory_space<vmem>>
    %dma_start3A_139 = tpu.memref_slice %arg5[%add3A_136] : memref<599136xf32, #tpu.memory_space<hbm>> -> memref<3200xf32, #tpu.memory_space<hbm>>
    %dma_start3A_140 = arith.constant 3200 : i32
    %dma_start3A_141 = tpu.memref_slice %arg13[%dma_start3A_140] : memref<9600xf32, #tpu.memory_space<vmem>> -> memref<3200xf32, #tpu.memory_space<vmem>>
    %dma_start3A_142 = tpu.memref_slice %arg5[%add3A_136] : memref<599136xf32, #tpu.memory_space<hbm>> -> memref<3200xf32, #tpu.memory_space<hbm>>
    tpu.enqueue_dma source(%dma_start3A_142 : memref<3200xf32, #tpu.memory_space<hbm>>) target(%dma_start3A_141 : memref<3200xf32, #tpu.memory_space<vmem>>) target_semaphore(%arg20 : memref<!tpu.dma_semaphore, #tpu.memory_space<semaphore_mem>>)
    %add3A_143 = arith.constant 399424 : i32
    %add3A_144 = arith.addi %add3A_143, %add3A_78 : i32
    %dma_start3A_145 = arith.constant 6400 : i32
    %dma_start3A_146 = tpu.memref_slice %arg13[%dma_start3A_145] : memref<9600xf32, #tpu.memory_space<vmem>> -> memref<3200xf32, #tpu.memory_space<vmem>>
    %dma_start3A_147 = tpu.memref_slice %arg5[%add3A_144] : memref<599136xf32, #tpu.memory_space<hbm>> -> memref<3200xf32, #tpu.memory_space<hbm>>
    %dma_start3A_148 = arith.constant 6400 : i32
    %dma_start3A_149 = tpu.memref_slice %arg13[%dma_start3A_148] : memref<9600xf32, #tpu.memory_space<vmem>> -> memref<3200xf32, #tpu.memory_space<vmem>>
    %dma_start3A_150 = tpu.memref_slice %arg5[%add3A_144] : memref<599136xf32, #tpu.memory_space<hbm>> -> memref<3200xf32, #tpu.memory_space<hbm>>
    tpu.enqueue_dma source(%dma_start3A_150 : memref<3200xf32, #tpu.memory_space<hbm>>) target(%dma_start3A_149 : memref<3200xf32, #tpu.memory_space<vmem>>) target_semaphore(%arg20 : memref<!tpu.dma_semaphore, #tpu.memory_space<semaphore_mem>>)
    %mul3A_151 = arith.constant 6288 : i32
    %mul3A_152 = arith.muli %arg1, %mul3A_151 : i32
    "tpu.region"() ({
      %run_scoped3A = tpu.sem_alloc : memref<!tpu.dma_semaphore, #tpu.memory_space<semaphore_mem>>
      %dma_start3A_376 = tpu.memref_slice %arg2[%mul3A_152] : memref<100489xf32, #tpu.memory_space<hbm>> -> memref<6288xf32, #tpu.memory_space<hbm>>
      %dma_start3A_377 = tpu.memref_slice %arg2[%mul3A_152] : memref<100489xf32, #tpu.memory_space<hbm>> -> memref<6288xf32, #tpu.memory_space<hbm>>
      tpu.enqueue_dma source(%dma_start3A_377 : memref<6288xf32, #tpu.memory_space<hbm>>) target(%arg18 : memref<6288xf32, #tpu.memory_space<vmem>>) target_semaphore(%run_scoped3A : memref<!tpu.dma_semaphore, #tpu.memory_space<semaphore_mem>>)
      %dma_wait3A_378 = tpu.memref_slice %arg2[%mul3A_152] : memref<100489xf32, #tpu.memory_space<hbm>> -> memref<6288xf32, #tpu.memory_space<hbm>>
      %dma_wait3A_379 = tpu.memref_slice %arg2[%mul3A_152] : memref<100489xf32, #tpu.memory_space<hbm>> -> memref<6288xf32, #tpu.memory_space<hbm>>
      tpu.wait_dma2 semaphore(%run_scoped3A : memref<!tpu.dma_semaphore, #tpu.memory_space<semaphore_mem>>) src(%dma_wait3A_379 : memref<6288xf32, #tpu.memory_space<hbm>>) dst(%arg18 : memref<6288xf32, #tpu.memory_space<vmem>>)
      tpu.yield
    }) : () -> ()
    "tpu.region"() ({
      %run_scoped3A = tpu.sem_alloc : memref<!tpu.dma_semaphore, #tpu.memory_space<semaphore_mem>>
      %dma_start3A_376 = tpu.memref_slice %arg7[%mul3A_152] : memref<100608xf32, #tpu.memory_space<vmem_shared>> -> memref<6288xf32, #tpu.memory_space<vmem_shared>>
      %dma_start3A_377 = tpu.memref_slice %arg7[%mul3A_152] : memref<100608xf32, #tpu.memory_space<vmem_shared>> -> memref<6288xf32, #tpu.memory_space<vmem_shared>>
      tpu.enqueue_dma source(%arg18 : memref<6288xf32, #tpu.memory_space<vmem>>) target(%dma_start3A_377 : memref<6288xf32, #tpu.memory_space<vmem_shared>>) target_semaphore(%run_scoped3A : memref<!tpu.dma_semaphore, #tpu.memory_space<semaphore_mem>>)
      %dma_wait3A_378 = tpu.memref_slice %arg7[%mul3A_152] : memref<100608xf32, #tpu.memory_space<vmem_shared>> -> memref<6288xf32, #tpu.memory_space<vmem_shared>>
      %dma_wait3A_379 = tpu.memref_slice %arg7[%mul3A_152] : memref<100608xf32, #tpu.memory_space<vmem_shared>> -> memref<6288xf32, #tpu.memory_space<vmem_shared>>
      tpu.wait_dma2 semaphore(%run_scoped3A : memref<!tpu.dma_semaphore, #tpu.memory_space<semaphore_mem>>) src(%arg18 : memref<6288xf32, #tpu.memory_space<vmem>>) dst(%dma_wait3A_379 : memref<6288xf32, #tpu.memory_space<vmem_shared>>)
      tpu.yield
    }) : () -> ()
    %barrier3A = arith.constant 0 : index
    tpu.barrier barrier_id(%barrier3A)
    %dma_wait3A = arith.constant 0 : i32
    %dma_wait3A_153 = tpu.memref_slice %arg8[%dma_wait3A] : memref<9600xi32, #tpu.memory_space<vmem>> -> memref<3200xi32, #tpu.memory_space<vmem>>
    %dma_wait3A_154 = tpu.memref_slice %arg3[%add3A_7] : memref<599136xi32, #tpu.memory_space<hbm>> -> memref<3200xi32, #tpu.memory_space<hbm>>
    %dma_wait3A_155 = arith.constant 0 : i32
    %dma_wait3A_156 = tpu.memref_slice %arg8[%dma_wait3A_155] : memref<9600xi32, #tpu.memory_space<vmem>> -> memref<3200xi32, #tpu.memory_space<vmem>>
    %dma_wait3A_157 = tpu.memref_slice %arg3[%add3A_7] : memref<599136xi32, #tpu.memory_space<hbm>> -> memref<3200xi32, #tpu.memory_space<hbm>>
    tpu.wait_dma2 semaphore(%arg19 : memref<!tpu.dma_semaphore, #tpu.memory_space<semaphore_mem>>) src(%dma_wait3A_157 : memref<3200xi32, #tpu.memory_space<hbm>>) dst(%dma_wait3A_156 : memref<3200xi32, #tpu.memory_space<vmem>>)
    %dma_wait3A_158 = arith.constant 3200 : i32
    %dma_wait3A_159 = tpu.memref_slice %arg8[%dma_wait3A_158] : memref<9600xi32, #tpu.memory_space<vmem>> -> memref<3200xi32, #tpu.memory_space<vmem>>
    %dma_wait3A_160 = tpu.memref_slice %arg3[%add3A_14] : memref<599136xi32, #tpu.memory_space<hbm>> -> memref<3200xi32, #tpu.memory_space<hbm>>
    %dma_wait3A_161 = arith.constant 3200 : i32
    %dma_wait3A_162 = tpu.memref_slice %arg8[%dma_wait3A_161] : memref<9600xi32, #tpu.memory_space<vmem>> -> memref<3200xi32, #tpu.memory_space<vmem>>
    %dma_wait3A_163 = tpu.memref_slice %arg3[%add3A_14] : memref<599136xi32, #tpu.memory_space<hbm>> -> memref<3200xi32, #tpu.memory_space<hbm>>
    tpu.wait_dma2 semaphore(%arg19 : memref<!tpu.dma_semaphore, #tpu.memory_space<semaphore_mem>>) src(%dma_wait3A_163 : memref<3200xi32, #tpu.memory_space<hbm>>) dst(%dma_wait3A_162 : memref<3200xi32, #tpu.memory_space<vmem>>)
    %dma_wait3A_164 = arith.constant 6400 : i32
    %dma_wait3A_165 = tpu.memref_slice %arg8[%dma_wait3A_164] : memref<9600xi32, #tpu.memory_space<vmem>> -> memref<3200xi32, #tpu.memory_space<vmem>>
    %dma_wait3A_166 = tpu.memref_slice %arg3[%add3A_22] : memref<599136xi32, #tpu.memory_space<hbm>> -> memref<3200xi32, #tpu.memory_space<hbm>>
    %dma_wait3A_167 = arith.constant 6400 : i32
    %dma_wait3A_168 = tpu.memref_slice %arg8[%dma_wait3A_167] : memref<9600xi32, #tpu.memory_space<vmem>> -> memref<3200xi32, #tpu.memory_space<vmem>>
    %dma_wait3A_169 = tpu.memref_slice %arg3[%add3A_22] : memref<599136xi32, #tpu.memory_space<hbm>> -> memref<3200xi32, #tpu.memory_space<hbm>>
    tpu.wait_dma2 semaphore(%arg19 : memref<!tpu.dma_semaphore, #tpu.memory_space<semaphore_mem>>) src(%dma_wait3A_169 : memref<3200xi32, #tpu.memory_space<hbm>>) dst(%dma_wait3A_168 : memref<3200xi32, #tpu.memory_space<vmem>>)
    %dma_wait3A_170 = arith.constant 0 : i32
    %dma_wait3A_171 = tpu.memref_slice %arg10[%dma_wait3A_170] : memref<9600xf32, #tpu.memory_space<vmem>> -> memref<3200xf32, #tpu.memory_space<vmem>>
    %dma_wait3A_172 = tpu.memref_slice %arg4[%add3A_30] : memref<599136xf32, #tpu.memory_space<hbm>> -> memref<3200xf32, #tpu.memory_space<hbm>>
    %dma_wait3A_173 = arith.constant 0 : i32
    %dma_wait3A_174 = tpu.memref_slice %arg10[%dma_wait3A_173] : memref<9600xf32, #tpu.memory_space<vmem>> -> memref<3200xf32, #tpu.memory_space<vmem>>
    %dma_wait3A_175 = tpu.memref_slice %arg4[%add3A_30] : memref<599136xf32, #tpu.memory_space<hbm>> -> memref<3200xf32, #tpu.memory_space<hbm>>
    tpu.wait_dma2 semaphore(%arg19 : memref<!tpu.dma_semaphore, #tpu.memory_space<semaphore_mem>>) src(%dma_wait3A_175 : memref<3200xf32, #tpu.memory_space<hbm>>) dst(%dma_wait3A_174 : memref<3200xf32, #tpu.memory_space<vmem>>)
    %dma_wait3A_176 = arith.constant 3200 : i32
    %dma_wait3A_177 = tpu.memref_slice %arg10[%dma_wait3A_176] : memref<9600xf32, #tpu.memory_space<vmem>> -> memref<3200xf32, #tpu.memory_space<vmem>>
    %dma_wait3A_178 = tpu.memref_slice %arg4[%add3A_38] : memref<599136xf32, #tpu.memory_space<hbm>> -> memref<3200xf32, #tpu.memory_space<hbm>>
    %dma_wait3A_179 = arith.constant 3200 : i32
    %dma_wait3A_180 = tpu.memref_slice %arg10[%dma_wait3A_179] : memref<9600xf32, #tpu.memory_space<vmem>> -> memref<3200xf32, #tpu.memory_space<vmem>>
    %dma_wait3A_181 = tpu.memref_slice %arg4[%add3A_38] : memref<599136xf32, #tpu.memory_space<hbm>> -> memref<3200xf32, #tpu.memory_space<hbm>>
    tpu.wait_dma2 semaphore(%arg19 : memref<!tpu.dma_semaphore, #tpu.memory_space<semaphore_mem>>) src(%dma_wait3A_181 : memref<3200xf32, #tpu.memory_space<hbm>>) dst(%dma_wait3A_180 : memref<3200xf32, #tpu.memory_space<vmem>>)
    %dma_wait3A_182 = arith.constant 6400 : i32
    %dma_wait3A_183 = tpu.memref_slice %arg10[%dma_wait3A_182] : memref<9600xf32, #tpu.memory_space<vmem>> -> memref<3200xf32, #tpu.memory_space<vmem>>
    %dma_wait3A_184 = tpu.memref_slice %arg4[%add3A_46] : memref<599136xf32, #tpu.memory_space<hbm>> -> memref<3200xf32, #tpu.memory_space<hbm>>
    %dma_wait3A_185 = arith.constant 6400 : i32
    %dma_wait3A_186 = tpu.memref_slice %arg10[%dma_wait3A_185] : memref<9600xf32, #tpu.memory_space<vmem>> -> memref<3200xf32, #tpu.memory_space<vmem>>
    %dma_wait3A_187 = tpu.memref_slice %arg4[%add3A_46] : memref<599136xf32, #tpu.memory_space<hbm>> -> memref<3200xf32, #tpu.memory_space<hbm>>
    tpu.wait_dma2 semaphore(%arg19 : memref<!tpu.dma_semaphore, #tpu.memory_space<semaphore_mem>>) src(%dma_wait3A_187 : memref<3200xf32, #tpu.memory_space<hbm>>) dst(%dma_wait3A_186 : memref<3200xf32, #tpu.memory_space<vmem>>)
    %dma_wait3A_188 = arith.constant 0 : i32
    %dma_wait3A_189 = tpu.memref_slice %arg12[%dma_wait3A_188] : memref<9600xf32, #tpu.memory_space<vmem>> -> memref<3200xf32, #tpu.memory_space<vmem>>
    %dma_wait3A_190 = tpu.memref_slice %arg5[%add3A_54] : memref<599136xf32, #tpu.memory_space<hbm>> -> memref<3200xf32, #tpu.memory_space<hbm>>
    %dma_wait3A_191 = arith.constant 0 : i32
    %dma_wait3A_192 = tpu.memref_slice %arg12[%dma_wait3A_191] : memref<9600xf32, #tpu.memory_space<vmem>> -> memref<3200xf32, #tpu.memory_space<vmem>>
    %dma_wait3A_193 = tpu.memref_slice %arg5[%add3A_54] : memref<599136xf32, #tpu.memory_space<hbm>> -> memref<3200xf32, #tpu.memory_space<hbm>>
    tpu.wait_dma2 semaphore(%arg19 : memref<!tpu.dma_semaphore, #tpu.memory_space<semaphore_mem>>) src(%dma_wait3A_193 : memref<3200xf32, #tpu.memory_space<hbm>>) dst(%dma_wait3A_192 : memref<3200xf32, #tpu.memory_space<vmem>>)
    %dma_wait3A_194 = arith.constant 3200 : i32
    %dma_wait3A_195 = tpu.memref_slice %arg12[%dma_wait3A_194] : memref<9600xf32, #tpu.memory_space<vmem>> -> memref<3200xf32, #tpu.memory_space<vmem>>
    %dma_wait3A_196 = tpu.memref_slice %arg5[%add3A_62] : memref<599136xf32, #tpu.memory_space<hbm>> -> memref<3200xf32, #tpu.memory_space<hbm>>
    %dma_wait3A_197 = arith.constant 3200 : i32
    %dma_wait3A_198 = tpu.memref_slice %arg12[%dma_wait3A_197] : memref<9600xf32, #tpu.memory_space<vmem>> -> memref<3200xf32, #tpu.memory_space<vmem>>
    %dma_wait3A_199 = tpu.memref_slice %arg5[%add3A_62] : memref<599136xf32, #tpu.memory_space<hbm>> -> memref<3200xf32, #tpu.memory_space<hbm>>
    tpu.wait_dma2 semaphore(%arg19 : memref<!tpu.dma_semaphore, #tpu.memory_space<semaphore_mem>>) src(%dma_wait3A_199 : memref<3200xf32, #tpu.memory_space<hbm>>) dst(%dma_wait3A_198 : memref<3200xf32, #tpu.memory_space<vmem>>)
    %dma_wait3A_200 = arith.constant 6400 : i32
    %dma_wait3A_201 = tpu.memref_slice %arg12[%dma_wait3A_200] : memref<9600xf32, #tpu.memory_space<vmem>> -> memref<3200xf32, #tpu.memory_space<vmem>>
    %dma_wait3A_202 = tpu.memref_slice %arg5[%add3A_70] : memref<599136xf32, #tpu.memory_space<hbm>> -> memref<3200xf32, #tpu.memory_space<hbm>>
    %dma_wait3A_203 = arith.constant 6400 : i32
    %dma_wait3A_204 = tpu.memref_slice %arg12[%dma_wait3A_203] : memref<9600xf32, #tpu.memory_space<vmem>> -> memref<3200xf32, #tpu.memory_space<vmem>>
    %dma_wait3A_205 = tpu.memref_slice %arg5[%add3A_70] : memref<599136xf32, #tpu.memory_space<hbm>> -> memref<3200xf32, #tpu.memory_space<hbm>>
    tpu.wait_dma2 semaphore(%arg19 : memref<!tpu.dma_semaphore, #tpu.memory_space<semaphore_mem>>) src(%dma_wait3A_205 : memref<3200xf32, #tpu.memory_space<hbm>>) dst(%dma_wait3A_204 : memref<3200xf32, #tpu.memory_space<vmem>>)
    %add3A_206 = arith.constant 0 : i32
    %add3A_207 = arith.addi %min3A_3, %add3A_206 : i32
    %add3A_208 = arith.constant 3200 : i32
    %add3A_209 = arith.addi %add3A_207, %add3A_208 : i32
    %gt3A = arith.constant 199712 : i32
    %gt3A_210 = arith.cmpi sgt, %add3A_209, %gt3A : i32
    %convert_element_type3A = arith.extui %gt3A_210 : i1 to i32
    %cond3A = arith.constant 0 : i32
    %cond3A_211 = arith.cmpi ne, %convert_element_type3A, %cond3A : i32
    scf.if %cond3A_211 {
      %broadcast_in_dim3A = arith.constant 100488 : i32
      %broadcast_in_dim3A_376 = vector.broadcast %broadcast_in_dim3A : i32 to vector<16xi32>
      %broadcast_in_dim3A_377 = arith.constant 0 : i32
      %broadcast_in_dim3A_378 = vector.broadcast %broadcast_in_dim3A_377 : i32 to vector<16xi32>
      %get3A = arith.constant 3072 : index
      %get3A_379 = tpu.vector_load %arg8[%get3A] {strides = array<i32>} : memref<9600xi32, #tpu.memory_space<vmem>>, vector<16xi32>,
      %max3A = arith.maxsi %get3A_379, %broadcast_in_dim3A_378 : vector<16xi32>
      %min3A_380 = arith.minsi %max3A, %broadcast_in_dim3A_376 : vector<16xi32>
      %swap3A = arith.constant 3072 : index
      %swap3A_381 = tpu.vector_load %arg8[%swap3A] {strides = array<i32>} : memref<9600xi32, #tpu.memory_space<vmem>>, vector<16xi32>,
      tpu.vector_store %arg8[%swap3A], %min3A_380 {strides = array<i32>} : memref<9600xi32, #tpu.memory_space<vmem>>, vector<16xi32>,
      %get3A_382 = arith.constant 3088 : index
      %get3A_383 = tpu.vector_load %arg8[%get3A_382] {strides = array<i32>} : memref<9600xi32, #tpu.memory_space<vmem>>, vector<16xi32>,
      %max3A_384 = arith.maxsi %get3A_383, %broadcast_in_dim3A_378 : vector<16xi32>
      %min3A_385 = arith.minsi %max3A_384, %broadcast_in_dim3A_376 : vector<16xi32>
      %swap3A_386 = arith.constant 3088 : index
      %swap3A_387 = tpu.vector_load %arg8[%swap3A_386] {strides = array<i32>} : memref<9600xi32, #tpu.memory_space<vmem>>, vector<16xi32>,
      tpu.vector_store %arg8[%swap3A_386], %min3A_385 {strides = array<i32>} : memref<9600xi32, #tpu.memory_space<vmem>>, vector<16xi32>,
      %get3A_388 = arith.constant 3104 : index
      %get3A_389 = tpu.vector_load %arg8[%get3A_388] {strides = array<i32>} : memref<9600xi32, #tpu.memory_space<vmem>>, vector<16xi32>,
      %max3A_390 = arith.maxsi %get3A_389, %broadcast_in_dim3A_378 : vector<16xi32>
      %min3A_391 = arith.minsi %max3A_390, %broadcast_in_dim3A_376 : vector<16xi32>
      %swap3A_392 = arith.constant 3104 : index
      %swap3A_393 = tpu.vector_load %arg8[%swap3A_392] {strides = array<i32>} : memref<9600xi32, #tpu.memory_space<vmem>>, vector<16xi32>,
      tpu.vector_store %arg8[%swap3A_392], %min3A_391 {strides = array<i32>} : memref<9600xi32, #tpu.memory_space<vmem>>, vector<16xi32>,
      %get3A_394 = arith.constant 3120 : index
      %get3A_395 = tpu.vector_load %arg8[%get3A_394] {strides = array<i32>} : memref<9600xi32, #tpu.memory_space<vmem>>, vector<16xi32>,
      %max3A_396 = arith.maxsi %get3A_395, %broadcast_in_dim3A_378 : vector<16xi32>
      %min3A_397 = arith.minsi %max3A_396, %broadcast_in_dim3A_376 : vector<16xi32>
      %swap3A_398 = arith.constant 3120 : index
      %swap3A_399 = tpu.vector_load %arg8[%swap3A_398] {strides = array<i32>} : memref<9600xi32, #tpu.memory_space<vmem>>, vector<16xi32>,
      tpu.vector_store %arg8[%swap3A_398], %min3A_397 {strides = array<i32>} : memref<9600xi32, #tpu.memory_space<vmem>>, vector<16xi32>,
      %get3A_400 = arith.constant 3136 : index
      %get3A_401 = tpu.vector_load %arg8[%get3A_400] {strides = array<i32>} : memref<9600xi32, #tpu.memory_space<vmem>>, vector<16xi32>,
      %max3A_402 = arith.maxsi %get3A_401, %broadcast_in_dim3A_378 : vector<16xi32>
      %min3A_403 = arith.minsi %max3A_402, %broadcast_in_dim3A_376 : vector<16xi32>
      %swap3A_404 = arith.constant 3136 : index
      %swap3A_405 = tpu.vector_load %arg8[%swap3A_404] {strides = array<i32>} : memref<9600xi32, #tpu.memory_space<vmem>>, vector<16xi32>,
      tpu.vector_store %arg8[%swap3A_404], %min3A_403 {strides = array<i32>} : memref<9600xi32, #tpu.memory_space<vmem>>, vector<16xi32>,
      %get3A_406 = arith.constant 3152 : index
      %get3A_407 = tpu.vector_load %arg8[%get3A_406] {strides = array<i32>} : memref<9600xi32, #tpu.memory_space<vmem>>, vector<16xi32>,
      %max3A_408 = arith.maxsi %get3A_407, %broadcast_in_dim3A_378 : vector<16xi32>
      %min3A_409 = arith.minsi %max3A_408, %broadcast_in_dim3A_376 : vector<16xi32>
      %swap3A_410 = arith.constant 3152 : index
      %swap3A_411 = tpu.vector_load %arg8[%swap3A_410] {strides = array<i32>} : memref<9600xi32, #tpu.memory_space<vmem>>, vector<16xi32>,
      tpu.vector_store %arg8[%swap3A_410], %min3A_409 {strides = array<i32>} : memref<9600xi32, #tpu.memory_space<vmem>>, vector<16xi32>,
      %get3A_412 = arith.constant 3168 : index
      %get3A_413 = tpu.vector_load %arg8[%get3A_412] {strides = array<i32>} : memref<9600xi32, #tpu.memory_space<vmem>>, vector<16xi32>,
      %max3A_414 = arith.maxsi %get3A_413, %broadcast_in_dim3A_378 : vector<16xi32>
      %min3A_415 = arith.minsi %max3A_414, %broadcast_in_dim3A_376 : vector<16xi32>
      %swap3A_416 = arith.constant 3168 : index
      %swap3A_417 = tpu.vector_load %arg8[%swap3A_416] {strides = array<i32>} : memref<9600xi32, #tpu.memory_space<vmem>>, vector<16xi32>,
      tpu.vector_store %arg8[%swap3A_416], %min3A_415 {strides = array<i32>} : memref<9600xi32, #tpu.memory_space<vmem>>, vector<16xi32>,
      %get3A_418 = arith.constant 3184 : index
      %get3A_419 = tpu.vector_load %arg8[%get3A_418] {strides = array<i32>} : memref<9600xi32, #tpu.memory_space<vmem>>, vector<16xi32>,
      %max3A_420 = arith.maxsi %get3A_419, %broadcast_in_dim3A_378 : vector<16xi32>
      %min3A_421 = arith.minsi %max3A_420, %broadcast_in_dim3A_376 : vector<16xi32>
      %swap3A_422 = arith.constant 3184 : index
      %swap3A_423 = tpu.vector_load %arg8[%swap3A_422] {strides = array<i32>} : memref<9600xi32, #tpu.memory_space<vmem>>, vector<16xi32>,
      tpu.vector_store %arg8[%swap3A_422], %min3A_421 {strides = array<i32>} : memref<9600xi32, #tpu.memory_space<vmem>>, vector<16xi32>,
      %get3A_424 = arith.constant 6272 : index
      %get3A_425 = tpu.vector_load %arg8[%get3A_424] {strides = array<i32>} : memref<9600xi32, #tpu.memory_space<vmem>>, vector<16xi32>,
      %max3A_426 = arith.maxsi %get3A_425, %broadcast_in_dim3A_378 : vector<16xi32>
      %min3A_427 = arith.minsi %max3A_426, %broadcast_in_dim3A_376 : vector<16xi32>
      %swap3A_428 = arith.constant 6272 : index
      %swap3A_429 = tpu.vector_load %arg8[%swap3A_428] {strides = array<i32>} : memref<9600xi32, #tpu.memory_space<vmem>>, vector<16xi32>,
      tpu.vector_store %arg8[%swap3A_428], %min3A_427 {strides = array<i32>} : memref<9600xi32, #tpu.memory_space<vmem>>, vector<16xi32>,
      %get3A_430 = arith.constant 6288 : index
      %get3A_431 = tpu.vector_load %arg8[%get3A_430] {strides = array<i32>} : memref<9600xi32, #tpu.memory_space<vmem>>, vector<16xi32>,
      %max3A_432 = arith.maxsi %get3A_431, %broadcast_in_dim3A_378 : vector<16xi32>
      %min3A_433 = arith.minsi %max3A_432, %broadcast_in_dim3A_376 : vector<16xi32>
      %swap3A_434 = arith.constant 6288 : index
      %swap3A_435 = tpu.vector_load %arg8[%swap3A_434] {strides = array<i32>} : memref<9600xi32, #tpu.memory_space<vmem>>, vector<16xi32>,
      tpu.vector_store %arg8[%swap3A_434], %min3A_433 {strides = array<i32>} : memref<9600xi32, #tpu.memory_space<vmem>>, vector<16xi32>,
      %get3A_436 = arith.constant 6304 : index
      %get3A_437 = tpu.vector_load %arg8[%get3A_436] {strides = array<i32>} : memref<9600xi32, #tpu.memory_space<vmem>>, vector<16xi32>,
      %max3A_438 = arith.maxsi %get3A_437, %broadcast_in_dim3A_378 : vector<16xi32>
      %min3A_439 = arith.minsi %max3A_438, %broadcast_in_dim3A_376 : vector<16xi32>
      %swap3A_440 = arith.constant 6304 : index
      %swap3A_441 = tpu.vector_load %arg8[%swap3A_440] {strides = array<i32>} : memref<9600xi32, #tpu.memory_space<vmem>>, vector<16xi32>,
      tpu.vector_store %arg8[%swap3A_440], %min3A_439 {strides = array<i32>} : memref<9600xi32, #tpu.memory_space<vmem>>, vector<16xi32>,
      %get3A_442 = arith.constant 6320 : index
      %get3A_443 = tpu.vector_load %arg8[%get3A_442] {strides = array<i32>} : memref<9600xi32, #tpu.memory_space<vmem>>, vector<16xi32>,
      %max3A_444 = arith.maxsi %get3A_443, %broadcast_in_dim3A_378 : vector<16xi32>
      %min3A_445 = arith.minsi %max3A_444, %broadcast_in_dim3A_376 : vector<16xi32>
      %swap3A_446 = arith.constant 6320 : index
      %swap3A_447 = tpu.vector_load %arg8[%swap3A_446] {strides = array<i32>} : memref<9600xi32, #tpu.memory_space<vmem>>, vector<16xi32>,
      tpu.vector_store %arg8[%swap3A_446], %min3A_445 {strides = array<i32>} : memref<9600xi32, #tpu.memory_space<vmem>>, vector<16xi32>,
      %get3A_448 = arith.constant 6336 : index
      %get3A_449 = tpu.vector_load %arg8[%get3A_448] {strides = array<i32>} : memref<9600xi32, #tpu.memory_space<vmem>>, vector<16xi32>,
      %max3A_450 = arith.maxsi %get3A_449, %broadcast_in_dim3A_378 : vector<16xi32>
      %min3A_451 = arith.minsi %max3A_450, %broadcast_in_dim3A_376 : vector<16xi32>
      %swap3A_452 = arith.constant 6336 : index
      %swap3A_453 = tpu.vector_load %arg8[%swap3A_452] {strides = array<i32>} : memref<9600xi32, #tpu.memory_space<vmem>>, vector<16xi32>,
      tpu.vector_store %arg8[%swap3A_452], %min3A_451 {strides = array<i32>} : memref<9600xi32, #tpu.memory_space<vmem>>, vector<16xi32>,
      %get3A_454 = arith.constant 6352 : index
      %get3A_455 = tpu.vector_load %arg8[%get3A_454] {strides = array<i32>} : memref<9600xi32, #tpu.memory_space<vmem>>, vector<16xi32>,
      %max3A_456 = arith.maxsi %get3A_455, %broadcast_in_dim3A_378 : vector<16xi32>
      %min3A_457 = arith.minsi %max3A_456, %broadcast_in_dim3A_376 : vector<16xi32>
      %swap3A_458 = arith.constant 6352 : index
      %swap3A_459 = tpu.vector_load %arg8[%swap3A_458] {strides = array<i32>} : memref<9600xi32, #tpu.memory_space<vmem>>, vector<16xi32>,
      tpu.vector_store %arg8[%swap3A_458], %min3A_457 {strides = array<i32>} : memref<9600xi32, #tpu.memory_space<vmem>>, vector<16xi32>,
      %get3A_460 = arith.constant 6368 : index
      %get3A_461 = tpu.vector_load %arg8[%get3A_460] {strides = array<i32>} : memref<9600xi32, #tpu.memory_space<vmem>>, vector<16xi32>,
      %max3A_462 = arith.maxsi %get3A_461, %broadcast_in_dim3A_378 : vector<16xi32>
      %min3A_463 = arith.minsi %max3A_462, %broadcast_in_dim3A_376 : vector<16xi32>
      %swap3A_464 = arith.constant 6368 : index
      %swap3A_465 = tpu.vector_load %arg8[%swap3A_464] {strides = array<i32>} : memref<9600xi32, #tpu.memory_space<vmem>>, vector<16xi32>,
      tpu.vector_store %arg8[%swap3A_464], %min3A_463 {strides = array<i32>} : memref<9600xi32, #tpu.memory_space<vmem>>, vector<16xi32>,
      %get3A_466 = arith.constant 6384 : index
      %get3A_467 = tpu.vector_load %arg8[%get3A_466] {strides = array<i32>} : memref<9600xi32, #tpu.memory_space<vmem>>, vector<16xi32>,
      %max3A_468 = arith.maxsi %get3A_467, %broadcast_in_dim3A_378 : vector<16xi32>
      %min3A_469 = arith.minsi %max3A_468, %broadcast_in_dim3A_376 : vector<16xi32>
      %swap3A_470 = arith.constant 6384 : index
      %swap3A_471 = tpu.vector_load %arg8[%swap3A_470] {strides = array<i32>} : memref<9600xi32, #tpu.memory_space<vmem>>, vector<16xi32>,
      tpu.vector_store %arg8[%swap3A_470], %min3A_469 {strides = array<i32>} : memref<9600xi32, #tpu.memory_space<vmem>>, vector<16xi32>,
      %get3A_472 = arith.constant 9472 : index
      %get3A_473 = tpu.vector_load %arg8[%get3A_472] {strides = array<i32>} : memref<9600xi32, #tpu.memory_space<vmem>>, vector<16xi32>,
      %max3A_474 = arith.maxsi %get3A_473, %broadcast_in_dim3A_378 : vector<16xi32>
      %min3A_475 = arith.minsi %max3A_474, %broadcast_in_dim3A_376 : vector<16xi32>
      %swap3A_476 = arith.constant 9472 : index
      %swap3A_477 = tpu.vector_load %arg8[%swap3A_476] {strides = array<i32>} : memref<9600xi32, #tpu.memory_space<vmem>>, vector<16xi32>,
      tpu.vector_store %arg8[%swap3A_476], %min3A_475 {strides = array<i32>} : memref<9600xi32, #tpu.memory_space<vmem>>, vector<16xi32>,
      %get3A_478 = arith.constant 9488 : index
      %get3A_479 = tpu.vector_load %arg8[%get3A_478] {strides = array<i32>} : memref<9600xi32, #tpu.memory_space<vmem>>, vector<16xi32>,
      %max3A_480 = arith.maxsi %get3A_479, %broadcast_in_dim3A_378 : vector<16xi32>
      %min3A_481 = arith.minsi %max3A_480, %broadcast_in_dim3A_376 : vector<16xi32>
      %swap3A_482 = arith.constant 9488 : index
      %swap3A_483 = tpu.vector_load %arg8[%swap3A_482] {strides = array<i32>} : memref<9600xi32, #tpu.memory_space<vmem>>, vector<16xi32>,
      tpu.vector_store %arg8[%swap3A_482], %min3A_481 {strides = array<i32>} : memref<9600xi32, #tpu.memory_space<vmem>>, vector<16xi32>,
      %get3A_484 = arith.constant 9504 : index
      %get3A_485 = tpu.vector_load %arg8[%get3A_484] {strides = array<i32>} : memref<9600xi32, #tpu.memory_space<vmem>>, vector<16xi32>,
      %max3A_486 = arith.maxsi %get3A_485, %broadcast_in_dim3A_378 : vector<16xi32>
      %min3A_487 = arith.minsi %max3A_486, %broadcast_in_dim3A_376 : vector<16xi32>
      %swap3A_488 = arith.constant 9504 : index
      %swap3A_489 = tpu.vector_load %arg8[%swap3A_488] {strides = array<i32>} : memref<9600xi32, #tpu.memory_space<vmem>>, vector<16xi32>,
      tpu.vector_store %arg8[%swap3A_488], %min3A_487 {strides = array<i32>} : memref<9600xi32, #tpu.memory_space<vmem>>, vector<16xi32>,
      %get3A_490 = arith.constant 9520 : index
      %get3A_491 = tpu.vector_load %arg8[%get3A_490] {strides = array<i32>} : memref<9600xi32, #tpu.memory_space<vmem>>, vector<16xi32>,
      %max3A_492 = arith.maxsi %get3A_491, %broadcast_in_dim3A_378 : vector<16xi32>
      %min3A_493 = arith.minsi %max3A_492, %broadcast_in_dim3A_376 : vector<16xi32>
      %swap3A_494 = arith.constant 9520 : index
      %swap3A_495 = tpu.vector_load %arg8[%swap3A_494] {strides = array<i32>} : memref<9600xi32, #tpu.memory_space<vmem>>, vector<16xi32>,
      tpu.vector_store %arg8[%swap3A_494], %min3A_493 {strides = array<i32>} : memref<9600xi32, #tpu.memory_space<vmem>>, vector<16xi32>,
      %get3A_496 = arith.constant 9536 : index
      %get3A_497 = tpu.vector_load %arg8[%get3A_496] {strides = array<i32>} : memref<9600xi32, #tpu.memory_space<vmem>>, vector<16xi32>,
      %max3A_498 = arith.maxsi %get3A_497, %broadcast_in_dim3A_378 : vector<16xi32>
      %min3A_499 = arith.minsi %max3A_498, %broadcast_in_dim3A_376 : vector<16xi32>
      %swap3A_500 = arith.constant 9536 : index
      %swap3A_501 = tpu.vector_load %arg8[%swap3A_500] {strides = array<i32>} : memref<9600xi32, #tpu.memory_space<vmem>>, vector<16xi32>,
      tpu.vector_store %arg8[%swap3A_500], %min3A_499 {strides = array<i32>} : memref<9600xi32, #tpu.memory_space<vmem>>, vector<16xi32>,
      %get3A_502 = arith.constant 9552 : index
      %get3A_503 = tpu.vector_load %arg8[%get3A_502] {strides = array<i32>} : memref<9600xi32, #tpu.memory_space<vmem>>, vector<16xi32>,
      %max3A_504 = arith.maxsi %get3A_503, %broadcast_in_dim3A_378 : vector<16xi32>
      %min3A_505 = arith.minsi %max3A_504, %broadcast_in_dim3A_376 : vector<16xi32>
      %swap3A_506 = arith.constant 9552 : index
      %swap3A_507 = tpu.vector_load %arg8[%swap3A_506] {strides = array<i32>} : memref<9600xi32, #tpu.memory_space<vmem>>, vector<16xi32>,
      tpu.vector_store %arg8[%swap3A_506], %min3A_505 {strides = array<i32>} : memref<9600xi32, #tpu.memory_space<vmem>>, vector<16xi32>,
      %get3A_508 = arith.constant 9568 : index
      %get3A_509 = tpu.vector_load %arg8[%get3A_508] {strides = array<i32>} : memref<9600xi32, #tpu.memory_space<vmem>>, vector<16xi32>,
      %max3A_510 = arith.maxsi %get3A_509, %broadcast_in_dim3A_378 : vector<16xi32>
      %min3A_511 = arith.minsi %max3A_510, %broadcast_in_dim3A_376 : vector<16xi32>
      %swap3A_512 = arith.constant 9568 : index
      %swap3A_513 = tpu.vector_load %arg8[%swap3A_512] {strides = array<i32>} : memref<9600xi32, #tpu.memory_space<vmem>>, vector<16xi32>,
      tpu.vector_store %arg8[%swap3A_512], %min3A_511 {strides = array<i32>} : memref<9600xi32, #tpu.memory_space<vmem>>, vector<16xi32>,
      %get3A_514 = arith.constant 9584 : index
      %get3A_515 = tpu.vector_load %arg8[%get3A_514] {strides = array<i32>} : memref<9600xi32, #tpu.memory_space<vmem>>, vector<16xi32>,
      %max3A_516 = arith.maxsi %get3A_515, %broadcast_in_dim3A_378 : vector<16xi32>
      %min3A_517 = arith.minsi %max3A_516, %broadcast_in_dim3A_376 : vector<16xi32>
      %swap3A_518 = arith.constant 9584 : index
      %swap3A_519 = tpu.vector_load %arg8[%swap3A_518] {strides = array<i32>} : memref<9600xi32, #tpu.memory_space<vmem>>, vector<16xi32>,
      tpu.vector_store %arg8[%swap3A_518], %min3A_517 {strides = array<i32>} : memref<9600xi32, #tpu.memory_space<vmem>>, vector<16xi32>,
    } else {
    }
    %dma_start3A_212 = arith.constant 0 : i32
    %dma_start3A_213 = tpu.memref_slice %arg14[%dma_start3A_212] : memref<9600xf32, #tpu.memory_space<vmem>> -> memref<3200xf32, #tpu.memory_space<vmem>>
    %dma_start3A_214 = arith.constant 0 : i32
    %dma_start3A_215 = tpu.memref_slice %arg8[%dma_start3A_214] : memref<9600xi32, #tpu.memory_space<vmem>> -> memref<3200xi32, #tpu.memory_space<vmem>>
    %dma_start3A_216 = arith.constant 0 : i32
    %dma_start3A_217 = tpu.memref_slice %arg7[%dma_start3A_216] : memref<100608xf32, #tpu.memory_space<vmem_shared>> -> memref<100608xf32, #tpu.memory_space<vmem_shared>>
    tpu.enqueue_indirect_dma source(%dma_start3A_217 : memref<100608xf32, #tpu.memory_space<vmem_shared>>) target(%dma_start3A_213 : memref<3200xf32, #tpu.memory_space<vmem>>) offsets(%dma_start3A_215 : memref<3200xi32, #tpu.memory_space<vmem>>) semaphore(%arg21 : memref<!tpu.dma_semaphore, #tpu.memory_space<semaphore_mem>>)
    %dma_start3A_218 = arith.constant 3200 : i32
    %dma_start3A_219 = tpu.memref_slice %arg14[%dma_start3A_218] : memref<9600xf32, #tpu.memory_space<vmem>> -> memref<3200xf32, #tpu.memory_space<vmem>>
    %dma_start3A_220 = arith.constant 3200 : i32
    %dma_start3A_221 = tpu.memref_slice %arg8[%dma_start3A_220] : memref<9600xi32, #tpu.memory_space<vmem>> -> memref<3200xi32, #tpu.memory_space<vmem>>
    %dma_start3A_222 = arith.constant 0 : i32
    %dma_start3A_223 = tpu.memref_slice %arg7[%dma_start3A_222] : memref<100608xf32, #tpu.memory_space<vmem_shared>> -> memref<100608xf32, #tpu.memory_space<vmem_shared>>
    tpu.enqueue_indirect_dma source(%dma_start3A_223 : memref<100608xf32, #tpu.memory_space<vmem_shared>>) target(%dma_start3A_219 : memref<3200xf32, #tpu.memory_space<vmem>>) offsets(%dma_start3A_221 : memref<3200xi32, #tpu.memory_space<vmem>>) semaphore(%arg21 : memref<!tpu.dma_semaphore, #tpu.memory_space<semaphore_mem>>)
    %dma_start3A_224 = arith.constant 6400 : i32
    %dma_start3A_225 = tpu.memref_slice %arg14[%dma_start3A_224] : memref<9600xf32, #tpu.memory_space<vmem>> -> memref<3200xf32, #tpu.memory_space<vmem>>
    %dma_start3A_226 = arith.constant 6400 : i32
    %dma_start3A_227 = tpu.memref_slice %arg8[%dma_start3A_226] : memref<9600xi32, #tpu.memory_space<vmem>> -> memref<3200xi32, #tpu.memory_space<vmem>>
    %dma_start3A_228 = arith.constant 0 : i32
    %dma_start3A_229 = tpu.memref_slice %arg7[%dma_start3A_228] : memref<100608xf32, #tpu.memory_space<vmem_shared>> -> memref<100608xf32, #tpu.memory_space<vmem_shared>>
    tpu.enqueue_indirect_dma source(%dma_start3A_229 : memref<100608xf32, #tpu.memory_space<vmem_shared>>) target(%dma_start3A_225 : memref<3200xf32, #tpu.memory_space<vmem>>) offsets(%dma_start3A_227 : memref<3200xi32, #tpu.memory_space<vmem>>) semaphore(%arg21 : memref<!tpu.dma_semaphore, #tpu.memory_space<semaphore_mem>>)
    %dma_wait3A_230 = arith.constant 0 : i32
    %dma_wait3A_231 = tpu.memref_slice %arg9[%dma_wait3A_230] : memref<9600xi32, #tpu.memory_space<vmem>> -> memref<3200xi32, #tpu.memory_space<vmem>>
    %dma_wait3A_232 = tpu.memref_slice %arg3[%add3A_80] : memref<599136xi32, #tpu.memory_space<hbm>> -> memref<3200xi32, #tpu.memory_space<hbm>>
    %dma_wait3A_233 = arith.constant 0 : i32
    %dma_wait3A_234 = tpu.memref_slice %arg9[%dma_wait3A_233] : memref<9600xi32, #tpu.memory_space<vmem>> -> memref<3200xi32, #tpu.memory_space<vmem>>
    %dma_wait3A_235 = tpu.memref_slice %arg3[%add3A_80] : memref<599136xi32, #tpu.memory_space<hbm>> -> memref<3200xi32, #tpu.memory_space<hbm>>
    tpu.wait_dma2 semaphore(%arg20 : memref<!tpu.dma_semaphore, #tpu.memory_space<semaphore_mem>>) src(%dma_wait3A_235 : memref<3200xi32, #tpu.memory_space<hbm>>) dst(%dma_wait3A_234 : memref<3200xi32, #tpu.memory_space<vmem>>)
    %dma_wait3A_236 = arith.constant 3200 : i32
    %dma_wait3A_237 = tpu.memref_slice %arg9[%dma_wait3A_236] : memref<9600xi32, #tpu.memory_space<vmem>> -> memref<3200xi32, #tpu.memory_space<vmem>>
    %dma_wait3A_238 = tpu.memref_slice %arg3[%add3A_88] : memref<599136xi32, #tpu.memory_space<hbm>> -> memref<3200xi32, #tpu.memory_space<hbm>>
    %dma_wait3A_239 = arith.constant 3200 : i32
    %dma_wait3A_240 = tpu.memref_slice %arg9[%dma_wait3A_239] : memref<9600xi32, #tpu.memory_space<vmem>> -> memref<3200xi32, #tpu.memory_space<vmem>>
    %dma_wait3A_241 = tpu.memref_slice %arg3[%add3A_88] : memref<599136xi32, #tpu.memory_space<hbm>> -> memref<3200xi32, #tpu.memory_space<hbm>>
    tpu.wait_dma2 semaphore(%arg20 : memref<!tpu.dma_semaphore, #tpu.memory_space<semaphore_mem>>) src(%dma_wait3A_241 : memref<3200xi32, #tpu.memory_space<hbm>>) dst(%dma_wait3A_240 : memref<3200xi32, #tpu.memory_space<vmem>>)
    %dma_wait3A_242 = arith.constant 6400 : i32
    %dma_wait3A_243 = tpu.memref_slice %arg9[%dma_wait3A_242] : memref<9600xi32, #tpu.memory_space<vmem>> -> memref<3200xi32, #tpu.memory_space<vmem>>
    %dma_wait3A_244 = tpu.memref_slice %arg3[%add3A_96] : memref<599136xi32, #tpu.memory_space<hbm>> -> memref<3200xi32, #tpu.memory_space<hbm>>
    %dma_wait3A_245 = arith.constant 6400 : i32
    %dma_wait3A_246 = tpu.memref_slice %arg9[%dma_wait3A_245] : memref<9600xi32, #tpu.memory_space<vmem>> -> memref<3200xi32, #tpu.memory_space<vmem>>
    %dma_wait3A_247 = tpu.memref_slice %arg3[%add3A_96] : memref<599136xi32, #tpu.memory_space<hbm>> -> memref<3200xi32, #tpu.memory_space<hbm>>
    tpu.wait_dma2 semaphore(%arg20 : memref<!tpu.dma_semaphore, #tpu.memory_space<semaphore_mem>>) src(%dma_wait3A_247 : memref<3200xi32, #tpu.memory_space<hbm>>) dst(%dma_wait3A_246 : memref<3200xi32, #tpu.memory_space<vmem>>)
    %dma_wait3A_248 = arith.constant 0 : i32
    %dma_wait3A_249 = tpu.memref_slice %arg11[%dma_wait3A_248] : memref<9600xf32, #tpu.memory_space<vmem>> -> memref<3200xf32, #tpu.memory_space<vmem>>
    %dma_wait3A_250 = tpu.memref_slice %arg4[%add3A_104] : memref<599136xf32, #tpu.memory_space<hbm>> -> memref<3200xf32, #tpu.memory_space<hbm>>
    %dma_wait3A_251 = arith.constant 0 : i32
    %dma_wait3A_252 = tpu.memref_slice %arg11[%dma_wait3A_251] : memref<9600xf32, #tpu.memory_space<vmem>> -> memref<3200xf32, #tpu.memory_space<vmem>>
    %dma_wait3A_253 = tpu.memref_slice %arg4[%add3A_104] : memref<599136xf32, #tpu.memory_space<hbm>> -> memref<3200xf32, #tpu.memory_space<hbm>>
    tpu.wait_dma2 semaphore(%arg20 : memref<!tpu.dma_semaphore, #tpu.memory_space<semaphore_mem>>) src(%dma_wait3A_253 : memref<3200xf32, #tpu.memory_space<hbm>>) dst(%dma_wait3A_252 : memref<3200xf32, #tpu.memory_space<vmem>>)
    %dma_wait3A_254 = arith.constant 3200 : i32
    %dma_wait3A_255 = tpu.memref_slice %arg11[%dma_wait3A_254] : memref<9600xf32, #tpu.memory_space<vmem>> -> memref<3200xf32, #tpu.memory_space<vmem>>
    %dma_wait3A_256 = tpu.memref_slice %arg4[%add3A_112] : memref<599136xf32, #tpu.memory_space<hbm>> -> memref<3200xf32, #tpu.memory_space<hbm>>
    %dma_wait3A_257 = arith.constant 3200 : i32
    %dma_wait3A_258 = tpu.memref_slice %arg11[%dma_wait3A_257] : memref<9600xf32, #tpu.memory_space<vmem>> -> memref<3200xf32, #tpu.memory_space<vmem>>
    %dma_wait3A_259 = tpu.memref_slice %arg4[%add3A_112] : memref<599136xf32, #tpu.memory_space<hbm>> -> memref<3200xf32, #tpu.memory_space<hbm>>
    tpu.wait_dma2 semaphore(%arg20 : memref<!tpu.dma_semaphore, #tpu.memory_space<semaphore_mem>>) src(%dma_wait3A_259 : memref<3200xf32, #tpu.memory_space<hbm>>) dst(%dma_wait3A_258 : memref<3200xf32, #tpu.memory_space<vmem>>)
    %dma_wait3A_260 = arith.constant 6400 : i32
    %dma_wait3A_261 = tpu.memref_slice %arg11[%dma_wait3A_260] : memref<9600xf32, #tpu.memory_space<vmem>> -> memref<3200xf32, #tpu.memory_space<vmem>>
    %dma_wait3A_262 = tpu.memref_slice %arg4[%add3A_120] : memref<599136xf32, #tpu.memory_space<hbm>> -> memref<3200xf32, #tpu.memory_space<hbm>>
    %dma_wait3A_263 = arith.constant 6400 : i32
    %dma_wait3A_264 = tpu.memref_slice %arg11[%dma_wait3A_263] : memref<9600xf32, #tpu.memory_space<vmem>> -> memref<3200xf32, #tpu.memory_space<vmem>>
    %dma_wait3A_265 = tpu.memref_slice %arg4[%add3A_120] : memref<599136xf32, #tpu.memory_space<hbm>> -> memref<3200xf32, #tpu.memory_space<hbm>>
    tpu.wait_dma2 semaphore(%arg20 : memref<!tpu.dma_semaphore, #tpu.memory_space<semaphore_mem>>) src(%dma_wait3A_265 : memref<3200xf32, #tpu.memory_space<hbm>>) dst(%dma_wait3A_264 : memref<3200xf32, #tpu.memory_space<vmem>>)
    %dma_wait3A_266 = arith.constant 0 : i32
    %dma_wait3A_267 = tpu.memref_slice %arg13[%dma_wait3A_266] : memref<9600xf32, #tpu.memory_space<vmem>> -> memref<3200xf32, #tpu.memory_space<vmem>>
    %dma_wait3A_268 = tpu.memref_slice %arg5[%add3A_128] : memref<599136xf32, #tpu.memory_space<hbm>> -> memref<3200xf32, #tpu.memory_space<hbm>>
    %dma_wait3A_269 = arith.constant 0 : i32
    %dma_wait3A_270 = tpu.memref_slice %arg13[%dma_wait3A_269] : memref<9600xf32, #tpu.memory_space<vmem>> -> memref<3200xf32, #tpu.memory_space<vmem>>
    %dma_wait3A_271 = tpu.memref_slice %arg5[%add3A_128] : memref<599136xf32, #tpu.memory_space<hbm>> -> memref<3200xf32, #tpu.memory_space<hbm>>
    tpu.wait_dma2 semaphore(%arg20 : memref<!tpu.dma_semaphore, #tpu.memory_space<semaphore_mem>>) src(%dma_wait3A_271 : memref<3200xf32, #tpu.memory_space<hbm>>) dst(%dma_wait3A_270 : memref<3200xf32, #tpu.memory_space<vmem>>)
    %dma_wait3A_272 = arith.constant 3200 : i32
    %dma_wait3A_273 = tpu.memref_slice %arg13[%dma_wait3A_272] : memref<9600xf32, #tpu.memory_space<vmem>> -> memref<3200xf32, #tpu.memory_space<vmem>>
    %dma_wait3A_274 = tpu.memref_slice %arg5[%add3A_136] : memref<599136xf32, #tpu.memory_space<hbm>> -> memref<3200xf32, #tpu.memory_space<hbm>>
    %dma_wait3A_275 = arith.constant 3200 : i32
    %dma_wait3A_276 = tpu.memref_slice %arg13[%dma_wait3A_275] : memref<9600xf32, #tpu.memory_space<vmem>> -> memref<3200xf32, #tpu.memory_space<vmem>>
    %dma_wait3A_277 = tpu.memref_slice %arg5[%add3A_136] : memref<599136xf32, #tpu.memory_space<hbm>> -> memref<3200xf32, #tpu.memory_space<hbm>>
    tpu.wait_dma2 semaphore(%arg20 : memref<!tpu.dma_semaphore, #tpu.memory_space<semaphore_mem>>) src(%dma_wait3A_277 : memref<3200xf32, #tpu.memory_space<hbm>>) dst(%dma_wait3A_276 : memref<3200xf32, #tpu.memory_space<vmem>>)
    %dma_wait3A_278 = arith.constant 6400 : i32
    %dma_wait3A_279 = tpu.memref_slice %arg13[%dma_wait3A_278] : memref<9600xf32, #tpu.memory_space<vmem>> -> memref<3200xf32, #tpu.memory_space<vmem>>
    %dma_wait3A_280 = tpu.memref_slice %arg5[%add3A_144] : memref<599136xf32, #tpu.memory_space<hbm>> -> memref<3200xf32, #tpu.memory_space<hbm>>
    %dma_wait3A_281 = arith.constant 6400 : i32
    %dma_wait3A_282 = tpu.memref_slice %arg13[%dma_wait3A_281] : memref<9600xf32, #tpu.memory_space<vmem>> -> memref<3200xf32, #tpu.memory_space<vmem>>
    %dma_wait3A_283 = tpu.memref_slice %arg5[%add3A_144] : memref<599136xf32, #tpu.memory_space<hbm>> -> memref<3200xf32, #tpu.memory_space<hbm>>
    tpu.wait_dma2 semaphore(%arg20 : memref<!tpu.dma_semaphore, #tpu.memory_space<semaphore_mem>>) src(%dma_wait3A_283 : memref<3200xf32, #tpu.memory_space<hbm>>) dst(%dma_wait3A_282 : memref<3200xf32, #tpu.memory_space<vmem>>)
    %add3A_284 = arith.constant 3200 : i32
    %add3A_285 = arith.addi %min3A_3, %add3A_284 : i32
    %add3A_286 = arith.constant 3200 : i32
    %add3A_287 = arith.addi %add3A_285, %add3A_286 : i32
    %gt3A_288 = arith.constant 199712 : i32
    %gt3A_289 = arith.cmpi sgt, %add3A_287, %gt3A_288 : i32
    %convert_element_type3A_290 = arith.extui %gt3A_289 : i1 to i32
    %cond3A_291 = arith.constant 0 : i32
    %cond3A_292 = arith.cmpi ne, %convert_element_type3A_290, %cond3A_291 : i32
    scf.if %cond3A_292 {
      %broadcast_in_dim3A = arith.constant 100488 : i32
      %broadcast_in_dim3A_376 = vector.broadcast %broadcast_in_dim3A : i32 to vector<16xi32>
      %broadcast_in_dim3A_377 = arith.constant 0 : i32
      %broadcast_in_dim3A_378 = vector.broadcast %broadcast_in_dim3A_377 : i32 to vector<16xi32>
      %get3A = arith.constant 3072 : index
      %get3A_379 = tpu.vector_load %arg9[%get3A] {strides = array<i32>} : memref<9600xi32, #tpu.memory_space<vmem>>, vector<16xi32>,
      %max3A = arith.maxsi %get3A_379, %broadcast_in_dim3A_378 : vector<16xi32>
      %min3A_380 = arith.minsi %max3A, %broadcast_in_dim3A_376 : vector<16xi32>
      %swap3A = arith.constant 3072 : index
      %swap3A_381 = tpu.vector_load %arg9[%swap3A] {strides = array<i32>} : memref<9600xi32, #tpu.memory_space<vmem>>, vector<16xi32>,
      tpu.vector_store %arg9[%swap3A], %min3A_380 {strides = array<i32>} : memref<9600xi32, #tpu.memory_space<vmem>>, vector<16xi32>,
      %get3A_382 = arith.constant 3088 : index
      %get3A_383 = tpu.vector_load %arg9[%get3A_382] {strides = array<i32>} : memref<9600xi32, #tpu.memory_space<vmem>>, vector<16xi32>,
      %max3A_384 = arith.maxsi %get3A_383, %broadcast_in_dim3A_378 : vector<16xi32>
      %min3A_385 = arith.minsi %max3A_384, %broadcast_in_dim3A_376 : vector<16xi32>
      %swap3A_386 = arith.constant 3088 : index
      %swap3A_387 = tpu.vector_load %arg9[%swap3A_386] {strides = array<i32>} : memref<9600xi32, #tpu.memory_space<vmem>>, vector<16xi32>,
      tpu.vector_store %arg9[%swap3A_386], %min3A_385 {strides = array<i32>} : memref<9600xi32, #tpu.memory_space<vmem>>, vector<16xi32>,
      %get3A_388 = arith.constant 3104 : index
      %get3A_389 = tpu.vector_load %arg9[%get3A_388] {strides = array<i32>} : memref<9600xi32, #tpu.memory_space<vmem>>, vector<16xi32>,
      %max3A_390 = arith.maxsi %get3A_389, %broadcast_in_dim3A_378 : vector<16xi32>
      %min3A_391 = arith.minsi %max3A_390, %broadcast_in_dim3A_376 : vector<16xi32>
      %swap3A_392 = arith.constant 3104 : index
      %swap3A_393 = tpu.vector_load %arg9[%swap3A_392] {strides = array<i32>} : memref<9600xi32, #tpu.memory_space<vmem>>, vector<16xi32>,
      tpu.vector_store %arg9[%swap3A_392], %min3A_391 {strides = array<i32>} : memref<9600xi32, #tpu.memory_space<vmem>>, vector<16xi32>,
      %get3A_394 = arith.constant 3120 : index
      %get3A_395 = tpu.vector_load %arg9[%get3A_394] {strides = array<i32>} : memref<9600xi32, #tpu.memory_space<vmem>>, vector<16xi32>,
      %max3A_396 = arith.maxsi %get3A_395, %broadcast_in_dim3A_378 : vector<16xi32>
      %min3A_397 = arith.minsi %max3A_396, %broadcast_in_dim3A_376 : vector<16xi32>
      %swap3A_398 = arith.constant 3120 : index
      %swap3A_399 = tpu.vector_load %arg9[%swap3A_398] {strides = array<i32>} : memref<9600xi32, #tpu.memory_space<vmem>>, vector<16xi32>,
      tpu.vector_store %arg9[%swap3A_398], %min3A_397 {strides = array<i32>} : memref<9600xi32, #tpu.memory_space<vmem>>, vector<16xi32>,
      %get3A_400 = arith.constant 3136 : index
      %get3A_401 = tpu.vector_load %arg9[%get3A_400] {strides = array<i32>} : memref<9600xi32, #tpu.memory_space<vmem>>, vector<16xi32>,
      %max3A_402 = arith.maxsi %get3A_401, %broadcast_in_dim3A_378 : vector<16xi32>
      %min3A_403 = arith.minsi %max3A_402, %broadcast_in_dim3A_376 : vector<16xi32>
      %swap3A_404 = arith.constant 3136 : index
      %swap3A_405 = tpu.vector_load %arg9[%swap3A_404] {strides = array<i32>} : memref<9600xi32, #tpu.memory_space<vmem>>, vector<16xi32>,
      tpu.vector_store %arg9[%swap3A_404], %min3A_403 {strides = array<i32>} : memref<9600xi32, #tpu.memory_space<vmem>>, vector<16xi32>,
      %get3A_406 = arith.constant 3152 : index
      %get3A_407 = tpu.vector_load %arg9[%get3A_406] {strides = array<i32>} : memref<9600xi32, #tpu.memory_space<vmem>>, vector<16xi32>,
      %max3A_408 = arith.maxsi %get3A_407, %broadcast_in_dim3A_378 : vector<16xi32>
      %min3A_409 = arith.minsi %max3A_408, %broadcast_in_dim3A_376 : vector<16xi32>
      %swap3A_410 = arith.constant 3152 : index
      %swap3A_411 = tpu.vector_load %arg9[%swap3A_410] {strides = array<i32>} : memref<9600xi32, #tpu.memory_space<vmem>>, vector<16xi32>,
      tpu.vector_store %arg9[%swap3A_410], %min3A_409 {strides = array<i32>} : memref<9600xi32, #tpu.memory_space<vmem>>, vector<16xi32>,
      %get3A_412 = arith.constant 3168 : index
      %get3A_413 = tpu.vector_load %arg9[%get3A_412] {strides = array<i32>} : memref<9600xi32, #tpu.memory_space<vmem>>, vector<16xi32>,
      %max3A_414 = arith.maxsi %get3A_413, %broadcast_in_dim3A_378 : vector<16xi32>
      %min3A_415 = arith.minsi %max3A_414, %broadcast_in_dim3A_376 : vector<16xi32>
      %swap3A_416 = arith.constant 3168 : index
      %swap3A_417 = tpu.vector_load %arg9[%swap3A_416] {strides = array<i32>} : memref<9600xi32, #tpu.memory_space<vmem>>, vector<16xi32>,
      tpu.vector_store %arg9[%swap3A_416], %min3A_415 {strides = array<i32>} : memref<9600xi32, #tpu.memory_space<vmem>>, vector<16xi32>,
      %get3A_418 = arith.constant 3184 : index
      %get3A_419 = tpu.vector_load %arg9[%get3A_418] {strides = array<i32>} : memref<9600xi32, #tpu.memory_space<vmem>>, vector<16xi32>,
      %max3A_420 = arith.maxsi %get3A_419, %broadcast_in_dim3A_378 : vector<16xi32>
      %min3A_421 = arith.minsi %max3A_420, %broadcast_in_dim3A_376 : vector<16xi32>
      %swap3A_422 = arith.constant 3184 : index
      %swap3A_423 = tpu.vector_load %arg9[%swap3A_422] {strides = array<i32>} : memref<9600xi32, #tpu.memory_space<vmem>>, vector<16xi32>,
      tpu.vector_store %arg9[%swap3A_422], %min3A_421 {strides = array<i32>} : memref<9600xi32, #tpu.memory_space<vmem>>, vector<16xi32>,
      %get3A_424 = arith.constant 6272 : index
      %get3A_425 = tpu.vector_load %arg9[%get3A_424] {strides = array<i32>} : memref<9600xi32, #tpu.memory_space<vmem>>, vector<16xi32>,
      %max3A_426 = arith.maxsi %get3A_425, %broadcast_in_dim3A_378 : vector<16xi32>
      %min3A_427 = arith.minsi %max3A_426, %broadcast_in_dim3A_376 : vector<16xi32>
      %swap3A_428 = arith.constant 6272 : index
      %swap3A_429 = tpu.vector_load %arg9[%swap3A_428] {strides = array<i32>} : memref<9600xi32, #tpu.memory_space<vmem>>, vector<16xi32>,
      tpu.vector_store %arg9[%swap3A_428], %min3A_427 {strides = array<i32>} : memref<9600xi32, #tpu.memory_space<vmem>>, vector<16xi32>,
      %get3A_430 = arith.constant 6288 : index
      %get3A_431 = tpu.vector_load %arg9[%get3A_430] {strides = array<i32>} : memref<9600xi32, #tpu.memory_space<vmem>>, vector<16xi32>,
      %max3A_432 = arith.maxsi %get3A_431, %broadcast_in_dim3A_378 : vector<16xi32>
      %min3A_433 = arith.minsi %max3A_432, %broadcast_in_dim3A_376 : vector<16xi32>
      %swap3A_434 = arith.constant 6288 : index
      %swap3A_435 = tpu.vector_load %arg9[%swap3A_434] {strides = array<i32>} : memref<9600xi32, #tpu.memory_space<vmem>>, vector<16xi32>,
      tpu.vector_store %arg9[%swap3A_434], %min3A_433 {strides = array<i32>} : memref<9600xi32, #tpu.memory_space<vmem>>, vector<16xi32>,
      %get3A_436 = arith.constant 6304 : index
      %get3A_437 = tpu.vector_load %arg9[%get3A_436] {strides = array<i32>} : memref<9600xi32, #tpu.memory_space<vmem>>, vector<16xi32>,
      %max3A_438 = arith.maxsi %get3A_437, %broadcast_in_dim3A_378 : vector<16xi32>
      %min3A_439 = arith.minsi %max3A_438, %broadcast_in_dim3A_376 : vector<16xi32>
      %swap3A_440 = arith.constant 6304 : index
      %swap3A_441 = tpu.vector_load %arg9[%swap3A_440] {strides = array<i32>} : memref<9600xi32, #tpu.memory_space<vmem>>, vector<16xi32>,
      tpu.vector_store %arg9[%swap3A_440], %min3A_439 {strides = array<i32>} : memref<9600xi32, #tpu.memory_space<vmem>>, vector<16xi32>,
      %get3A_442 = arith.constant 6320 : index
      %get3A_443 = tpu.vector_load %arg9[%get3A_442] {strides = array<i32>} : memref<9600xi32, #tpu.memory_space<vmem>>, vector<16xi32>,
      %max3A_444 = arith.maxsi %get3A_443, %broadcast_in_dim3A_378 : vector<16xi32>
      %min3A_445 = arith.minsi %max3A_444, %broadcast_in_dim3A_376 : vector<16xi32>
      %swap3A_446 = arith.constant 6320 : index
      %swap3A_447 = tpu.vector_load %arg9[%swap3A_446] {strides = array<i32>} : memref<9600xi32, #tpu.memory_space<vmem>>, vector<16xi32>,
      tpu.vector_store %arg9[%swap3A_446], %min3A_445 {strides = array<i32>} : memref<9600xi32, #tpu.memory_space<vmem>>, vector<16xi32>,
      %get3A_448 = arith.constant 6336 : index
      %get3A_449 = tpu.vector_load %arg9[%get3A_448] {strides = array<i32>} : memref<9600xi32, #tpu.memory_space<vmem>>, vector<16xi32>,
      %max3A_450 = arith.maxsi %get3A_449, %broadcast_in_dim3A_378 : vector<16xi32>
      %min3A_451 = arith.minsi %max3A_450, %broadcast_in_dim3A_376 : vector<16xi32>
      %swap3A_452 = arith.constant 6336 : index
      %swap3A_453 = tpu.vector_load %arg9[%swap3A_452] {strides = array<i32>} : memref<9600xi32, #tpu.memory_space<vmem>>, vector<16xi32>,
      tpu.vector_store %arg9[%swap3A_452], %min3A_451 {strides = array<i32>} : memref<9600xi32, #tpu.memory_space<vmem>>, vector<16xi32>,
      %get3A_454 = arith.constant 6352 : index
      %get3A_455 = tpu.vector_load %arg9[%get3A_454] {strides = array<i32>} : memref<9600xi32, #tpu.memory_space<vmem>>, vector<16xi32>,
      %max3A_456 = arith.maxsi %get3A_455, %broadcast_in_dim3A_378 : vector<16xi32>
      %min3A_457 = arith.minsi %max3A_456, %broadcast_in_dim3A_376 : vector<16xi32>
      %swap3A_458 = arith.constant 6352 : index
      %swap3A_459 = tpu.vector_load %arg9[%swap3A_458] {strides = array<i32>} : memref<9600xi32, #tpu.memory_space<vmem>>, vector<16xi32>,
      tpu.vector_store %arg9[%swap3A_458], %min3A_457 {strides = array<i32>} : memref<9600xi32, #tpu.memory_space<vmem>>, vector<16xi32>,
      %get3A_460 = arith.constant 6368 : index
      %get3A_461 = tpu.vector_load %arg9[%get3A_460] {strides = array<i32>} : memref<9600xi32, #tpu.memory_space<vmem>>, vector<16xi32>,
      %max3A_462 = arith.maxsi %get3A_461, %broadcast_in_dim3A_378 : vector<16xi32>
      %min3A_463 = arith.minsi %max3A_462, %broadcast_in_dim3A_376 : vector<16xi32>
      %swap3A_464 = arith.constant 6368 : index
      %swap3A_465 = tpu.vector_load %arg9[%swap3A_464] {strides = array<i32>} : memref<9600xi32, #tpu.memory_space<vmem>>, vector<16xi32>,
      tpu.vector_store %arg9[%swap3A_464], %min3A_463 {strides = array<i32>} : memref<9600xi32, #tpu.memory_space<vmem>>, vector<16xi32>,
      %get3A_466 = arith.constant 6384 : index
      %get3A_467 = tpu.vector_load %arg9[%get3A_466] {strides = array<i32>} : memref<9600xi32, #tpu.memory_space<vmem>>, vector<16xi32>,
      %max3A_468 = arith.maxsi %get3A_467, %broadcast_in_dim3A_378 : vector<16xi32>
      %min3A_469 = arith.minsi %max3A_468, %broadcast_in_dim3A_376 : vector<16xi32>
      %swap3A_470 = arith.constant 6384 : index
      %swap3A_471 = tpu.vector_load %arg9[%swap3A_470] {strides = array<i32>} : memref<9600xi32, #tpu.memory_space<vmem>>, vector<16xi32>,
      tpu.vector_store %arg9[%swap3A_470], %min3A_469 {strides = array<i32>} : memref<9600xi32, #tpu.memory_space<vmem>>, vector<16xi32>,
      %get3A_472 = arith.constant 9472 : index
      %get3A_473 = tpu.vector_load %arg9[%get3A_472] {strides = array<i32>} : memref<9600xi32, #tpu.memory_space<vmem>>, vector<16xi32>,
      %max3A_474 = arith.maxsi %get3A_473, %broadcast_in_dim3A_378 : vector<16xi32>
      %min3A_475 = arith.minsi %max3A_474, %broadcast_in_dim3A_376 : vector<16xi32>
      %swap3A_476 = arith.constant 9472 : index
      %swap3A_477 = tpu.vector_load %arg9[%swap3A_476] {strides = array<i32>} : memref<9600xi32, #tpu.memory_space<vmem>>, vector<16xi32>,
      tpu.vector_store %arg9[%swap3A_476], %min3A_475 {strides = array<i32>} : memref<9600xi32, #tpu.memory_space<vmem>>, vector<16xi32>,
      %get3A_478 = arith.constant 9488 : index
      %get3A_479 = tpu.vector_load %arg9[%get3A_478] {strides = array<i32>} : memref<9600xi32, #tpu.memory_space<vmem>>, vector<16xi32>,
      %max3A_480 = arith.maxsi %get3A_479, %broadcast_in_dim3A_378 : vector<16xi32>
      %min3A_481 = arith.minsi %max3A_480, %broadcast_in_dim3A_376 : vector<16xi32>
      %swap3A_482 = arith.constant 9488 : index
      %swap3A_483 = tpu.vector_load %arg9[%swap3A_482] {strides = array<i32>} : memref<9600xi32, #tpu.memory_space<vmem>>, vector<16xi32>,
      tpu.vector_store %arg9[%swap3A_482], %min3A_481 {strides = array<i32>} : memref<9600xi32, #tpu.memory_space<vmem>>, vector<16xi32>,
      %get3A_484 = arith.constant 9504 : index
      %get3A_485 = tpu.vector_load %arg9[%get3A_484] {strides = array<i32>} : memref<9600xi32, #tpu.memory_space<vmem>>, vector<16xi32>,
      %max3A_486 = arith.maxsi %get3A_485, %broadcast_in_dim3A_378 : vector<16xi32>
      %min3A_487 = arith.minsi %max3A_486, %broadcast_in_dim3A_376 : vector<16xi32>
      %swap3A_488 = arith.constant 9504 : index
      %swap3A_489 = tpu.vector_load %arg9[%swap3A_488] {strides = array<i32>} : memref<9600xi32, #tpu.memory_space<vmem>>, vector<16xi32>,
      tpu.vector_store %arg9[%swap3A_488], %min3A_487 {strides = array<i32>} : memref<9600xi32, #tpu.memory_space<vmem>>, vector<16xi32>,
      %get3A_490 = arith.constant 9520 : index
      %get3A_491 = tpu.vector_load %arg9[%get3A_490] {strides = array<i32>} : memref<9600xi32, #tpu.memory_space<vmem>>, vector<16xi32>,
      %max3A_492 = arith.maxsi %get3A_491, %broadcast_in_dim3A_378 : vector<16xi32>
      %min3A_493 = arith.minsi %max3A_492, %broadcast_in_dim3A_376 : vector<16xi32>
      %swap3A_494 = arith.constant 9520 : index
      %swap3A_495 = tpu.vector_load %arg9[%swap3A_494] {strides = array<i32>} : memref<9600xi32, #tpu.memory_space<vmem>>, vector<16xi32>,
      tpu.vector_store %arg9[%swap3A_494], %min3A_493 {strides = array<i32>} : memref<9600xi32, #tpu.memory_space<vmem>>, vector<16xi32>,
      %get3A_496 = arith.constant 9536 : index
      %get3A_497 = tpu.vector_load %arg9[%get3A_496] {strides = array<i32>} : memref<9600xi32, #tpu.memory_space<vmem>>, vector<16xi32>,
      %max3A_498 = arith.maxsi %get3A_497, %broadcast_in_dim3A_378 : vector<16xi32>
      %min3A_499 = arith.minsi %max3A_498, %broadcast_in_dim3A_376 : vector<16xi32>
      %swap3A_500 = arith.constant 9536 : index
      %swap3A_501 = tpu.vector_load %arg9[%swap3A_500] {strides = array<i32>} : memref<9600xi32, #tpu.memory_space<vmem>>, vector<16xi32>,
      tpu.vector_store %arg9[%swap3A_500], %min3A_499 {strides = array<i32>} : memref<9600xi32, #tpu.memory_space<vmem>>, vector<16xi32>,
      %get3A_502 = arith.constant 9552 : index
      %get3A_503 = tpu.vector_load %arg9[%get3A_502] {strides = array<i32>} : memref<9600xi32, #tpu.memory_space<vmem>>, vector<16xi32>,
      %max3A_504 = arith.maxsi %get3A_503, %broadcast_in_dim3A_378 : vector<16xi32>
      %min3A_505 = arith.minsi %max3A_504, %broadcast_in_dim3A_376 : vector<16xi32>
      %swap3A_506 = arith.constant 9552 : index
      %swap3A_507 = tpu.vector_load %arg9[%swap3A_506] {strides = array<i32>} : memref<9600xi32, #tpu.memory_space<vmem>>, vector<16xi32>,
      tpu.vector_store %arg9[%swap3A_506], %min3A_505 {strides = array<i32>} : memref<9600xi32, #tpu.memory_space<vmem>>, vector<16xi32>,
      %get3A_508 = arith.constant 9568 : index
      %get3A_509 = tpu.vector_load %arg9[%get3A_508] {strides = array<i32>} : memref<9600xi32, #tpu.memory_space<vmem>>, vector<16xi32>,
      %max3A_510 = arith.maxsi %get3A_509, %broadcast_in_dim3A_378 : vector<16xi32>
      %min3A_511 = arith.minsi %max3A_510, %broadcast_in_dim3A_376 : vector<16xi32>
      %swap3A_512 = arith.constant 9568 : index
      %swap3A_513 = tpu.vector_load %arg9[%swap3A_512] {strides = array<i32>} : memref<9600xi32, #tpu.memory_space<vmem>>, vector<16xi32>,
      tpu.vector_store %arg9[%swap3A_512], %min3A_511 {strides = array<i32>} : memref<9600xi32, #tpu.memory_space<vmem>>, vector<16xi32>,
      %get3A_514 = arith.constant 9584 : index
      %get3A_515 = tpu.vector_load %arg9[%get3A_514] {strides = array<i32>} : memref<9600xi32, #tpu.memory_space<vmem>>, vector<16xi32>,
      %max3A_516 = arith.maxsi %get3A_515, %broadcast_in_dim3A_378 : vector<16xi32>
      %min3A_517 = arith.minsi %max3A_516, %broadcast_in_dim3A_376 : vector<16xi32>
      %swap3A_518 = arith.constant 9584 : index
      %swap3A_519 = tpu.vector_load %arg9[%swap3A_518] {strides = array<i32>} : memref<9600xi32, #tpu.memory_space<vmem>>, vector<16xi32>,
      tpu.vector_store %arg9[%swap3A_518], %min3A_517 {strides = array<i32>} : memref<9600xi32, #tpu.memory_space<vmem>>, vector<16xi32>,
    } else {
    }
    %dma_start3A_293 = arith.constant 0 : i32
    %dma_start3A_294 = tpu.memref_slice %arg15[%dma_start3A_293] : memref<9600xf32, #tpu.memory_space<vmem>> -> memref<3200xf32, #tpu.memory_space<vmem>>
    %dma_start3A_295 = arith.constant 0 : i32
    %dma_start3A_296 = tpu.memref_slice %arg9[%dma_start3A_295] : memref<9600xi32, #tpu.memory_space<vmem>> -> memref<3200xi32, #tpu.memory_space<vmem>>
    %dma_start3A_297 = arith.constant 0 : i32
    %dma_start3A_298 = tpu.memref_slice %arg7[%dma_start3A_297] : memref<100608xf32, #tpu.memory_space<vmem_shared>> -> memref<100608xf32, #tpu.memory_space<vmem_shared>>
    tpu.enqueue_indirect_dma source(%dma_start3A_298 : memref<100608xf32, #tpu.memory_space<vmem_shared>>) target(%dma_start3A_294 : memref<3200xf32, #tpu.memory_space<vmem>>) offsets(%dma_start3A_296 : memref<3200xi32, #tpu.memory_space<vmem>>) semaphore(%arg22 : memref<!tpu.dma_semaphore, #tpu.memory_space<semaphore_mem>>)
    %dma_start3A_299 = arith.constant 3200 : i32
    %dma_start3A_300 = tpu.memref_slice %arg15[%dma_start3A_299] : memref<9600xf32, #tpu.memory_space<vmem>> -> memref<3200xf32, #tpu.memory_space<vmem>>
    %dma_start3A_301 = arith.constant 3200 : i32
    %dma_start3A_302 = tpu.memref_slice %arg9[%dma_start3A_301] : memref<9600xi32, #tpu.memory_space<vmem>> -> memref<3200xi32, #tpu.memory_space<vmem>>
    %dma_start3A_303 = arith.constant 0 : i32
    %dma_start3A_304 = tpu.memref_slice %arg7[%dma_start3A_303] : memref<100608xf32, #tpu.memory_space<vmem_shared>> -> memref<100608xf32, #tpu.memory_space<vmem_shared>>
    tpu.enqueue_indirect_dma source(%dma_start3A_304 : memref<100608xf32, #tpu.memory_space<vmem_shared>>) target(%dma_start3A_300 : memref<3200xf32, #tpu.memory_space<vmem>>) offsets(%dma_start3A_302 : memref<3200xi32, #tpu.memory_space<vmem>>) semaphore(%arg22 : memref<!tpu.dma_semaphore, #tpu.memory_space<semaphore_mem>>)
    %dma_start3A_305 = arith.constant 6400 : i32
    %dma_start3A_306 = tpu.memref_slice %arg15[%dma_start3A_305] : memref<9600xf32, #tpu.memory_space<vmem>> -> memref<3200xf32, #tpu.memory_space<vmem>>
    %dma_start3A_307 = arith.constant 6400 : i32
    %dma_start3A_308 = tpu.memref_slice %arg9[%dma_start3A_307] : memref<9600xi32, #tpu.memory_space<vmem>> -> memref<3200xi32, #tpu.memory_space<vmem>>
    %dma_start3A_309 = arith.constant 0 : i32
    %dma_start3A_310 = tpu.memref_slice %arg7[%dma_start3A_309] : memref<100608xf32, #tpu.memory_space<vmem_shared>> -> memref<100608xf32, #tpu.memory_space<vmem_shared>>
    tpu.enqueue_indirect_dma source(%dma_start3A_310 : memref<100608xf32, #tpu.memory_space<vmem_shared>>) target(%dma_start3A_306 : memref<3200xf32, #tpu.memory_space<vmem>>) offsets(%dma_start3A_308 : memref<3200xi32, #tpu.memory_space<vmem>>) semaphore(%arg22 : memref<!tpu.dma_semaphore, #tpu.memory_space<semaphore_mem>>)
    %dma_wait3A_311 = arith.constant 0 : i32
    %dma_wait3A_312 = tpu.memref_slice %arg14[%dma_wait3A_311] : memref<9600xf32, #tpu.memory_space<vmem>> -> memref<3200xf32, #tpu.memory_space<vmem>>
    %dma_wait3A_313 = arith.constant 0 : i32
    %dma_wait3A_314 = tpu.memref_slice %arg8[%dma_wait3A_313] : memref<9600xi32, #tpu.memory_space<vmem>> -> memref<3200xi32, #tpu.memory_space<vmem>>
    %dma_wait3A_315 = arith.constant 0 : i32
    %dma_wait3A_316 = tpu.memref_slice %arg7[%dma_wait3A_315] : memref<100608xf32, #tpu.memory_space<vmem_shared>> -> memref<100608xf32, #tpu.memory_space<vmem_shared>>
    tpu.wait_indirect_dma semaphore(%arg21 : memref<!tpu.dma_semaphore, #tpu.memory_space<semaphore_mem>>) src(%dma_wait3A_316 : memref<100608xf32, #tpu.memory_space<vmem_shared>>) dst(%dma_wait3A_312 : memref<3200xf32, #tpu.memory_space<vmem>>)
    %dma_wait3A_317 = arith.constant 3200 : i32
    %dma_wait3A_318 = tpu.memref_slice %arg14[%dma_wait3A_317] : memref<9600xf32, #tpu.memory_space<vmem>> -> memref<3200xf32, #tpu.memory_space<vmem>>
    %dma_wait3A_319 = arith.constant 3200 : i32
    %dma_wait3A_320 = tpu.memref_slice %arg8[%dma_wait3A_319] : memref<9600xi32, #tpu.memory_space<vmem>> -> memref<3200xi32, #tpu.memory_space<vmem>>
    %dma_wait3A_321 = arith.constant 0 : i32
    %dma_wait3A_322 = tpu.memref_slice %arg7[%dma_wait3A_321] : memref<100608xf32, #tpu.memory_space<vmem_shared>> -> memref<100608xf32, #tpu.memory_space<vmem_shared>>
    tpu.wait_indirect_dma semaphore(%arg21 : memref<!tpu.dma_semaphore, #tpu.memory_space<semaphore_mem>>) src(%dma_wait3A_322 : memref<100608xf32, #tpu.memory_space<vmem_shared>>) dst(%dma_wait3A_318 : memref<3200xf32, #tpu.memory_space<vmem>>)
    %dma_wait3A_323 = arith.constant 6400 : i32
    %dma_wait3A_324 = tpu.memref_slice %arg14[%dma_wait3A_323] : memref<9600xf32, #tpu.memory_space<vmem>> -> memref<3200xf32, #tpu.memory_space<vmem>>
    %dma_wait3A_325 = arith.constant 6400 : i32
    %dma_wait3A_326 = tpu.memref_slice %arg8[%dma_wait3A_325] : memref<9600xi32, #tpu.memory_space<vmem>> -> memref<3200xi32, #tpu.memory_space<vmem>>
    %dma_wait3A_327 = arith.constant 0 : i32
    %dma_wait3A_328 = tpu.memref_slice %arg7[%dma_wait3A_327] : memref<100608xf32, #tpu.memory_space<vmem_shared>> -> memref<100608xf32, #tpu.memory_space<vmem_shared>>
    tpu.wait_indirect_dma semaphore(%arg21 : memref<!tpu.dma_semaphore, #tpu.memory_space<semaphore_mem>>) src(%dma_wait3A_328 : memref<100608xf32, #tpu.memory_space<vmem_shared>>) dst(%dma_wait3A_324 : memref<3200xf32, #tpu.memory_space<vmem>>)
    %scan3A = arith.constant 0 : i32
    %scan3A_329 = arith.constant 0 : i32
    %scan3A_330 = arith.constant 25 : i32
    %scan3A_331 = arith.addi %scan3A_329, %scan3A_330 : i32
    %scan3A_332 = arith.constant 1 : i32
    %scan3A_333 = scf.for %scan3A_376 = %scan3A_329 to %scan3A_331 step %scan3A_332 iter_args(%scan3A_377 = %scan3A) -> (i32)  : i32 {
      %mul3A_378 = arith.constant 128 : i32
      %mul3A_379 = arith.muli %scan3A_376, %mul3A_378 : i32
      %add3A_380 = arith.constant 0 : i32
      %add3A_381 = arith.addi %mul3A_379, %add3A_380 : i32
      %get3A = arith.index_cast %add3A_381 : i32 to index
      %get3A_382 = tpu.vector_load %arg14[%get3A] {strides = array<i32>} : memref<9600xf32, #tpu.memory_space<vmem>>, vector<16xf32>,
      %add3A_383 = arith.constant 3200 : i32
      %add3A_384 = arith.addi %add3A_383, %add3A_381 : i32
      %get3A_385 = arith.index_cast %add3A_384 : i32 to index
      %get3A_386 = tpu.vector_load %arg14[%get3A_385] {strides = array<i32>} : memref<9600xf32, #tpu.memory_space<vmem>>, vector<16xf32>,
      %add3A_387 = arith.constant 6400 : i32
      %add3A_388 = arith.addi %add3A_387, %add3A_381 : i32
      %get3A_389 = arith.index_cast %add3A_388 : i32 to index
      %get3A_390 = tpu.vector_load %arg14[%get3A_389] {strides = array<i32>} : memref<9600xf32, #tpu.memory_space<vmem>>, vector<16xf32>,
      %get3A_391 = arith.index_cast %add3A_381 : i32 to index
      %get3A_392 = tpu.vector_load %arg10[%get3A_391] {strides = array<i32>} : memref<9600xf32, #tpu.memory_space<vmem>>, vector<16xf32>,
      %mul3A_393 = arith.mulf %get3A_392, %get3A_382 : vector<16xf32>
      %add3A_394 = arith.constant 3200 : i32
      %add3A_395 = arith.addi %add3A_394, %add3A_381 : i32
      %get3A_396 = arith.index_cast %add3A_395 : i32 to index
      %get3A_397 = tpu.vector_load %arg10[%get3A_396] {strides = array<i32>} : memref<9600xf32, #tpu.memory_space<vmem>>, vector<16xf32>,
      %mul3A_398 = arith.mulf %get3A_397, %get3A_386 : vector<16xf32>
      %add3A_399 = arith.addf %mul3A_393, %mul3A_398 : vector<16xf32>
      %add3A_400 = arith.constant 6400 : i32
      %add3A_401 = arith.addi %add3A_400, %add3A_381 : i32
      %get3A_402 = arith.index_cast %add3A_401 : i32 to index
      %get3A_403 = tpu.vector_load %arg10[%get3A_402] {strides = array<i32>} : memref<9600xf32, #tpu.memory_space<vmem>>, vector<16xf32>,
      %mul3A_404 = arith.mulf %get3A_403, %get3A_390 : vector<16xf32>
      %add3A_405 = arith.addf %add3A_399, %mul3A_404 : vector<16xf32>
      %get3A_406 = arith.index_cast %add3A_381 : i32 to index
      %get3A_407 = tpu.vector_load %arg12[%get3A_406] {strides = array<i32>} : memref<9600xf32, #tpu.memory_space<vmem>>, vector<16xf32>,
      %mul3A_408 = arith.mulf %get3A_407, %get3A_382 : vector<16xf32>
      %add3A_409 = arith.constant 3200 : i32
      %add3A_410 = arith.addi %add3A_409, %add3A_381 : i32
      %get3A_411 = arith.index_cast %add3A_410 : i32 to index
      %get3A_412 = tpu.vector_load %arg12[%get3A_411] {strides = array<i32>} : memref<9600xf32, #tpu.memory_space<vmem>>, vector<16xf32>,
      %mul3A_413 = arith.mulf %get3A_412, %get3A_386 : vector<16xf32>
      %add3A_414 = arith.addf %mul3A_408, %mul3A_413 : vector<16xf32>
      %add3A_415 = arith.constant 6400 : i32
      %add3A_416 = arith.addi %add3A_415, %add3A_381 : i32
      %get3A_417 = arith.index_cast %add3A_416 : i32 to index
      %get3A_418 = tpu.vector_load %arg12[%get3A_417] {strides = array<i32>} : memref<9600xf32, #tpu.memory_space<vmem>>, vector<16xf32>,
      %mul3A_419 = arith.mulf %get3A_418, %get3A_390 : vector<16xf32>
      %add3A_420 = arith.addf %add3A_414, %mul3A_419 : vector<16xf32>
      %mul3A_421 = arith.constant 256 : i32
      %mul3A_422 = arith.muli %scan3A_376, %mul3A_421 : i32
      %add3A_423 = arith.constant 0 : i32
      %add3A_424 = arith.addi %mul3A_422, %add3A_423 : i32
      %swap3A = arith.index_cast %add3A_424 : i32 to index
      %swap3A_425 = tpu.vector_load %arg16[%swap3A] {strides = array<i32>} : memref<6400xf32, #tpu.memory_space<vmem>>, vector<16xf32>,
      tpu.vector_store %arg16[%swap3A], %add3A_405 {strides = array<i32>} : memref<6400xf32, #tpu.memory_space<vmem>>, vector<16xf32>,
      %add3A_426 = arith.constant 128 : i32
      %add3A_427 = arith.addi %add3A_424, %add3A_426 : i32
      %swap3A_428 = arith.index_cast %add3A_427 : i32 to index
      %swap3A_429 = tpu.vector_load %arg16[%swap3A_428] {strides = array<i32>} : memref<6400xf32, #tpu.memory_space<vmem>>, vector<16xf32>,
      tpu.vector_store %arg16[%swap3A_428], %add3A_420 {strides = array<i32>} : memref<6400xf32, #tpu.memory_space<vmem>>, vector<16xf32>,
      %mul3A_430 = arith.constant 128 : i32
      %mul3A_431 = arith.muli %scan3A_376, %mul3A_430 : i32
      %add3A_432 = arith.constant 16 : i32
      %add3A_433 = arith.addi %mul3A_431, %add3A_432 : i32
      %get3A_434 = arith.index_cast %add3A_433 : i32 to index
      %get3A_435 = tpu.vector_load %arg14[%get3A_434] {strides = array<i32>} : memref<9600xf32, #tpu.memory_space<vmem>>, vector<16xf32>,
      %add3A_436 = arith.constant 3200 : i32
      %add3A_437 = arith.addi %add3A_436, %add3A_433 : i32
      %get3A_438 = arith.index_cast %add3A_437 : i32 to index
      %get3A_439 = tpu.vector_load %arg14[%get3A_438] {strides = array<i32>} : memref<9600xf32, #tpu.memory_space<vmem>>, vector<16xf32>,
      %add3A_440 = arith.constant 6400 : i32
      %add3A_441 = arith.addi %add3A_440, %add3A_433 : i32
      %get3A_442 = arith.index_cast %add3A_441 : i32 to index
      %get3A_443 = tpu.vector_load %arg14[%get3A_442] {strides = array<i32>} : memref<9600xf32, #tpu.memory_space<vmem>>, vector<16xf32>,
      %get3A_444 = arith.index_cast %add3A_433 : i32 to index
      %get3A_445 = tpu.vector_load %arg10[%get3A_444] {strides = array<i32>} : memref<9600xf32, #tpu.memory_space<vmem>>, vector<16xf32>,
      %mul3A_446 = arith.mulf %get3A_445, %get3A_435 : vector<16xf32>
      %add3A_447 = arith.constant 3200 : i32
      %add3A_448 = arith.addi %add3A_447, %add3A_433 : i32
      %get3A_449 = arith.index_cast %add3A_448 : i32 to index
      %get3A_450 = tpu.vector_load %arg10[%get3A_449] {strides = array<i32>} : memref<9600xf32, #tpu.memory_space<vmem>>, vector<16xf32>,
      %mul3A_451 = arith.mulf %get3A_450, %get3A_439 : vector<16xf32>
      %add3A_452 = arith.addf %mul3A_446, %mul3A_451 : vector<16xf32>
      %add3A_453 = arith.constant 6400 : i32
      %add3A_454 = arith.addi %add3A_453, %add3A_433 : i32
      %get3A_455 = arith.index_cast %add3A_454 : i32 to index
      %get3A_456 = tpu.vector_load %arg10[%get3A_455] {strides = array<i32>} : memref<9600xf32, #tpu.memory_space<vmem>>, vector<16xf32>,
      %mul3A_457 = arith.mulf %get3A_456, %get3A_443 : vector<16xf32>
      %add3A_458 = arith.addf %add3A_452, %mul3A_457 : vector<16xf32>
      %get3A_459 = arith.index_cast %add3A_433 : i32 to index
      %get3A_460 = tpu.vector_load %arg12[%get3A_459] {strides = array<i32>} : memref<9600xf32, #tpu.memory_space<vmem>>, vector<16xf32>,
      %mul3A_461 = arith.mulf %get3A_460, %get3A_435 : vector<16xf32>
      %add3A_462 = arith.constant 3200 : i32
      %add3A_463 = arith.addi %add3A_462, %add3A_433 : i32
      %get3A_464 = arith.index_cast %add3A_463 : i32 to index
      %get3A_465 = tpu.vector_load %arg12[%get3A_464] {strides = array<i32>} : memref<9600xf32, #tpu.memory_space<vmem>>, vector<16xf32>,
      %mul3A_466 = arith.mulf %get3A_465, %get3A_439 : vector<16xf32>
      %add3A_467 = arith.addf %mul3A_461, %mul3A_466 : vector<16xf32>
      %add3A_468 = arith.constant 6400 : i32
      %add3A_469 = arith.addi %add3A_468, %add3A_433 : i32
      %get3A_470 = arith.index_cast %add3A_469 : i32 to index
      %get3A_471 = tpu.vector_load %arg12[%get3A_470] {strides = array<i32>} : memref<9600xf32, #tpu.memory_space<vmem>>, vector<16xf32>,
      %mul3A_472 = arith.mulf %get3A_471, %get3A_443 : vector<16xf32>
      %add3A_473 = arith.addf %add3A_467, %mul3A_472 : vector<16xf32>
      %mul3A_474 = arith.constant 256 : i32
      %mul3A_475 = arith.muli %scan3A_376, %mul3A_474 : i32
      %add3A_476 = arith.constant 16 : i32
      %add3A_477 = arith.addi %mul3A_475, %add3A_476 : i32
      %swap3A_478 = arith.index_cast %add3A_477 : i32 to index
      %swap3A_479 = tpu.vector_load %arg16[%swap3A_478] {strides = array<i32>} : memref<6400xf32, #tpu.memory_space<vmem>>, vector<16xf32>,
      tpu.vector_store %arg16[%swap3A_478], %add3A_458 {strides = array<i32>} : memref<6400xf32, #tpu.memory_space<vmem>>, vector<16xf32>,
      %add3A_480 = arith.constant 128 : i32
      %add3A_481 = arith.addi %add3A_477, %add3A_480 : i32
      %swap3A_482 = arith.index_cast %add3A_481 : i32 to index
      %swap3A_483 = tpu.vector_load %arg16[%swap3A_482] {strides = array<i32>} : memref<6400xf32, #tpu.memory_space<vmem>>, vector<16xf32>,
      tpu.vector_store %arg16[%swap3A_482], %add3A_473 {strides = array<i32>} : memref<6400xf32, #tpu.memory_space<vmem>>, vector<16xf32>,
      %mul3A_484 = arith.constant 128 : i32
      %mul3A_485 = arith.muli %scan3A_376, %mul3A_484 : i32
      %add3A_486 = arith.constant 32 : i32
      %add3A_487 = arith.addi %mul3A_485, %add3A_486 : i32
      %get3A_488 = arith.index_cast %add3A_487 : i32 to index
      %get3A_489 = tpu.vector_load %arg14[%get3A_488] {strides = array<i32>} : memref<9600xf32, #tpu.memory_space<vmem>>, vector<16xf32>,
      %add3A_490 = arith.constant 3200 : i32
      %add3A_491 = arith.addi %add3A_490, %add3A_487 : i32
      %get3A_492 = arith.index_cast %add3A_491 : i32 to index
      %get3A_493 = tpu.vector_load %arg14[%get3A_492] {strides = array<i32>} : memref<9600xf32, #tpu.memory_space<vmem>>, vector<16xf32>,
      %add3A_494 = arith.constant 6400 : i32
      %add3A_495 = arith.addi %add3A_494, %add3A_487 : i32
      %get3A_496 = arith.index_cast %add3A_495 : i32 to index
      %get3A_497 = tpu.vector_load %arg14[%get3A_496] {strides = array<i32>} : memref<9600xf32, #tpu.memory_space<vmem>>, vector<16xf32>,
      %get3A_498 = arith.index_cast %add3A_487 : i32 to index
      %get3A_499 = tpu.vector_load %arg10[%get3A_498] {strides = array<i32>} : memref<9600xf32, #tpu.memory_space<vmem>>, vector<16xf32>,
      %mul3A_500 = arith.mulf %get3A_499, %get3A_489 : vector<16xf32>
      %add3A_501 = arith.constant 3200 : i32
      %add3A_502 = arith.addi %add3A_501, %add3A_487 : i32
      %get3A_503 = arith.index_cast %add3A_502 : i32 to index
      %get3A_504 = tpu.vector_load %arg10[%get3A_503] {strides = array<i32>} : memref<9600xf32, #tpu.memory_space<vmem>>, vector<16xf32>,
      %mul3A_505 = arith.mulf %get3A_504, %get3A_493 : vector<16xf32>
      %add3A_506 = arith.addf %mul3A_500, %mul3A_505 : vector<16xf32>
      %add3A_507 = arith.constant 6400 : i32
      %add3A_508 = arith.addi %add3A_507, %add3A_487 : i32
      %get3A_509 = arith.index_cast %add3A_508 : i32 to index
      %get3A_510 = tpu.vector_load %arg10[%get3A_509] {strides = array<i32>} : memref<9600xf32, #tpu.memory_space<vmem>>, vector<16xf32>,
      %mul3A_511 = arith.mulf %get3A_510, %get3A_497 : vector<16xf32>
      %add3A_512 = arith.addf %add3A_506, %mul3A_511 : vector<16xf32>
      %get3A_513 = arith.index_cast %add3A_487 : i32 to index
      %get3A_514 = tpu.vector_load %arg12[%get3A_513] {strides = array<i32>} : memref<9600xf32, #tpu.memory_space<vmem>>, vector<16xf32>,
      %mul3A_515 = arith.mulf %get3A_514, %get3A_489 : vector<16xf32>
      %add3A_516 = arith.constant 3200 : i32
      %add3A_517 = arith.addi %add3A_516, %add3A_487 : i32
      %get3A_518 = arith.index_cast %add3A_517 : i32 to index
      %get3A_519 = tpu.vector_load %arg12[%get3A_518] {strides = array<i32>} : memref<9600xf32, #tpu.memory_space<vmem>>, vector<16xf32>,
      %mul3A_520 = arith.mulf %get3A_519, %get3A_493 : vector<16xf32>
      %add3A_521 = arith.addf %mul3A_515, %mul3A_520 : vector<16xf32>
      %add3A_522 = arith.constant 6400 : i32
      %add3A_523 = arith.addi %add3A_522, %add3A_487 : i32
      %get3A_524 = arith.index_cast %add3A_523 : i32 to index
      %get3A_525 = tpu.vector_load %arg12[%get3A_524] {strides = array<i32>} : memref<9600xf32, #tpu.memory_space<vmem>>, vector<16xf32>,
      %mul3A_526 = arith.mulf %get3A_525, %get3A_497 : vector<16xf32>
      %add3A_527 = arith.addf %add3A_521, %mul3A_526 : vector<16xf32>
      %mul3A_528 = arith.constant 256 : i32
      %mul3A_529 = arith.muli %scan3A_376, %mul3A_528 : i32
      %add3A_530 = arith.constant 32 : i32
      %add3A_531 = arith.addi %mul3A_529, %add3A_530 : i32
      %swap3A_532 = arith.index_cast %add3A_531 : i32 to index
      %swap3A_533 = tpu.vector_load %arg16[%swap3A_532] {strides = array<i32>} : memref<6400xf32, #tpu.memory_space<vmem>>, vector<16xf32>,
      tpu.vector_store %arg16[%swap3A_532], %add3A_512 {strides = array<i32>} : memref<6400xf32, #tpu.memory_space<vmem>>, vector<16xf32>,
      %add3A_534 = arith.constant 128 : i32
      %add3A_535 = arith.addi %add3A_531, %add3A_534 : i32
      %swap3A_536 = arith.index_cast %add3A_535 : i32 to index
      %swap3A_537 = tpu.vector_load %arg16[%swap3A_536] {strides = array<i32>} : memref<6400xf32, #tpu.memory_space<vmem>>, vector<16xf32>,
      tpu.vector_store %arg16[%swap3A_536], %add3A_527 {strides = array<i32>} : memref<6400xf32, #tpu.memory_space<vmem>>, vector<16xf32>,
      %mul3A_538 = arith.constant 128 : i32
      %mul3A_539 = arith.muli %scan3A_376, %mul3A_538 : i32
      %add3A_540 = arith.constant 48 : i32
      %add3A_541 = arith.addi %mul3A_539, %add3A_540 : i32
      %get3A_542 = arith.index_cast %add3A_541 : i32 to index
      %get3A_543 = tpu.vector_load %arg14[%get3A_542] {strides = array<i32>} : memref<9600xf32, #tpu.memory_space<vmem>>, vector<16xf32>,
      %add3A_544 = arith.constant 3200 : i32
      %add3A_545 = arith.addi %add3A_544, %add3A_541 : i32
      %get3A_546 = arith.index_cast %add3A_545 : i32 to index
      %get3A_547 = tpu.vector_load %arg14[%get3A_546] {strides = array<i32>} : memref<9600xf32, #tpu.memory_space<vmem>>, vector<16xf32>,
      %add3A_548 = arith.constant 6400 : i32
      %add3A_549 = arith.addi %add3A_548, %add3A_541 : i32
      %get3A_550 = arith.index_cast %add3A_549 : i32 to index
      %get3A_551 = tpu.vector_load %arg14[%get3A_550] {strides = array<i32>} : memref<9600xf32, #tpu.memory_space<vmem>>, vector<16xf32>,
      %get3A_552 = arith.index_cast %add3A_541 : i32 to index
      %get3A_553 = tpu.vector_load %arg10[%get3A_552] {strides = array<i32>} : memref<9600xf32, #tpu.memory_space<vmem>>, vector<16xf32>,
      %mul3A_554 = arith.mulf %get3A_553, %get3A_543 : vector<16xf32>
      %add3A_555 = arith.constant 3200 : i32
      %add3A_556 = arith.addi %add3A_555, %add3A_541 : i32
      %get3A_557 = arith.index_cast %add3A_556 : i32 to index
      %get3A_558 = tpu.vector_load %arg10[%get3A_557] {strides = array<i32>} : memref<9600xf32, #tpu.memory_space<vmem>>, vector<16xf32>,
      %mul3A_559 = arith.mulf %get3A_558, %get3A_547 : vector<16xf32>
      %add3A_560 = arith.addf %mul3A_554, %mul3A_559 : vector<16xf32>
      %add3A_561 = arith.constant 6400 : i32
      %add3A_562 = arith.addi %add3A_561, %add3A_541 : i32
      %get3A_563 = arith.index_cast %add3A_562 : i32 to index
      %get3A_564 = tpu.vector_load %arg10[%get3A_563] {strides = array<i32>} : memref<9600xf32, #tpu.memory_space<vmem>>, vector<16xf32>,
      %mul3A_565 = arith.mulf %get3A_564, %get3A_551 : vector<16xf32>
      %add3A_566 = arith.addf %add3A_560, %mul3A_565 : vector<16xf32>
      %get3A_567 = arith.index_cast %add3A_541 : i32 to index
      %get3A_568 = tpu.vector_load %arg12[%get3A_567] {strides = array<i32>} : memref<9600xf32, #tpu.memory_space<vmem>>, vector<16xf32>,
      %mul3A_569 = arith.mulf %get3A_568, %get3A_543 : vector<16xf32>
      %add3A_570 = arith.constant 3200 : i32
      %add3A_571 = arith.addi %add3A_570, %add3A_541 : i32
      %get3A_572 = arith.index_cast %add3A_571 : i32 to index
      %get3A_573 = tpu.vector_load %arg12[%get3A_572] {strides = array<i32>} : memref<9600xf32, #tpu.memory_space<vmem>>, vector<16xf32>,
      %mul3A_574 = arith.mulf %get3A_573, %get3A_547 : vector<16xf32>
      %add3A_575 = arith.addf %mul3A_569, %mul3A_574 : vector<16xf32>
      %add3A_576 = arith.constant 6400 : i32
      %add3A_577 = arith.addi %add3A_576, %add3A_541 : i32
      %get3A_578 = arith.index_cast %add3A_577 : i32 to index
      %get3A_579 = tpu.vector_load %arg12[%get3A_578] {strides = array<i32>} : memref<9600xf32, #tpu.memory_space<vmem>>, vector<16xf32>,
      %mul3A_580 = arith.mulf %get3A_579, %get3A_551 : vector<16xf32>
      %add3A_581 = arith.addf %add3A_575, %mul3A_580 : vector<16xf32>
      %mul3A_582 = arith.constant 256 : i32
      %mul3A_583 = arith.muli %scan3A_376, %mul3A_582 : i32
      %add3A_584 = arith.constant 48 : i32
      %add3A_585 = arith.addi %mul3A_583, %add3A_584 : i32
      %swap3A_586 = arith.index_cast %add3A_585 : i32 to index
      %swap3A_587 = tpu.vector_load %arg16[%swap3A_586] {strides = array<i32>} : memref<6400xf32, #tpu.memory_space<vmem>>, vector<16xf32>,
      tpu.vector_store %arg16[%swap3A_586], %add3A_566 {strides = array<i32>} : memref<6400xf32, #tpu.memory_space<vmem>>, vector<16xf32>,
      %add3A_588 = arith.constant 128 : i32
      %add3A_589 = arith.addi %add3A_585, %add3A_588 : i32
      %swap3A_590 = arith.index_cast %add3A_589 : i32 to index
      %swap3A_591 = tpu.vector_load %arg16[%swap3A_590] {strides = array<i32>} : memref<6400xf32, #tpu.memory_space<vmem>>, vector<16xf32>,
      tpu.vector_store %arg16[%swap3A_590], %add3A_581 {strides = array<i32>} : memref<6400xf32, #tpu.memory_space<vmem>>, vector<16xf32>,
      %mul3A_592 = arith.constant 128 : i32
      %mul3A_593 = arith.muli %scan3A_376, %mul3A_592 : i32
      %add3A_594 = arith.constant 64 : i32
      %add3A_595 = arith.addi %mul3A_593, %add3A_594 : i32
      %get3A_596 = arith.index_cast %add3A_595 : i32 to index
      %get3A_597 = tpu.vector_load %arg14[%get3A_596] {strides = array<i32>} : memref<9600xf32, #tpu.memory_space<vmem>>, vector<16xf32>,
      %add3A_598 = arith.constant 3200 : i32
      %add3A_599 = arith.addi %add3A_598, %add3A_595 : i32
      %get3A_600 = arith.index_cast %add3A_599 : i32 to index
      %get3A_601 = tpu.vector_load %arg14[%get3A_600] {strides = array<i32>} : memref<9600xf32, #tpu.memory_space<vmem>>, vector<16xf32>,
      %add3A_602 = arith.constant 6400 : i32
      %add3A_603 = arith.addi %add3A_602, %add3A_595 : i32
      %get3A_604 = arith.index_cast %add3A_603 : i32 to index
      %get3A_605 = tpu.vector_load %arg14[%get3A_604] {strides = array<i32>} : memref<9600xf32, #tpu.memory_space<vmem>>, vector<16xf32>,
      %get3A_606 = arith.index_cast %add3A_595 : i32 to index
      %get3A_607 = tpu.vector_load %arg10[%get3A_606] {strides = array<i32>} : memref<9600xf32, #tpu.memory_space<vmem>>, vector<16xf32>,
      %mul3A_608 = arith.mulf %get3A_607, %get3A_597 : vector<16xf32>
      %add3A_609 = arith.constant 3200 : i32
      %add3A_610 = arith.addi %add3A_609, %add3A_595 : i32
      %get3A_611 = arith.index_cast %add3A_610 : i32 to index
      %get3A_612 = tpu.vector_load %arg10[%get3A_611] {strides = array<i32>} : memref<9600xf32, #tpu.memory_space<vmem>>, vector<16xf32>,
      %mul3A_613 = arith.mulf %get3A_612, %get3A_601 : vector<16xf32>
      %add3A_614 = arith.addf %mul3A_608, %mul3A_613 : vector<16xf32>
      %add3A_615 = arith.constant 6400 : i32
      %add3A_616 = arith.addi %add3A_615, %add3A_595 : i32
      %get3A_617 = arith.index_cast %add3A_616 : i32 to index
      %get3A_618 = tpu.vector_load %arg10[%get3A_617] {strides = array<i32>} : memref<9600xf32, #tpu.memory_space<vmem>>, vector<16xf32>,
      %mul3A_619 = arith.mulf %get3A_618, %get3A_605 : vector<16xf32>
      %add3A_620 = arith.addf %add3A_614, %mul3A_619 : vector<16xf32>
      %get3A_621 = arith.index_cast %add3A_595 : i32 to index
      %get3A_622 = tpu.vector_load %arg12[%get3A_621] {strides = array<i32>} : memref<9600xf32, #tpu.memory_space<vmem>>, vector<16xf32>,
      %mul3A_623 = arith.mulf %get3A_622, %get3A_597 : vector<16xf32>
      %add3A_624 = arith.constant 3200 : i32
      %add3A_625 = arith.addi %add3A_624, %add3A_595 : i32
      %get3A_626 = arith.index_cast %add3A_625 : i32 to index
      %get3A_627 = tpu.vector_load %arg12[%get3A_626] {strides = array<i32>} : memref<9600xf32, #tpu.memory_space<vmem>>, vector<16xf32>,
      %mul3A_628 = arith.mulf %get3A_627, %get3A_601 : vector<16xf32>
      %add3A_629 = arith.addf %mul3A_623, %mul3A_628 : vector<16xf32>
      %add3A_630 = arith.constant 6400 : i32
      %add3A_631 = arith.addi %add3A_630, %add3A_595 : i32
      %get3A_632 = arith.index_cast %add3A_631 : i32 to index
      %get3A_633 = tpu.vector_load %arg12[%get3A_632] {strides = array<i32>} : memref<9600xf32, #tpu.memory_space<vmem>>, vector<16xf32>,
      %mul3A_634 = arith.mulf %get3A_633, %get3A_605 : vector<16xf32>
      %add3A_635 = arith.addf %add3A_629, %mul3A_634 : vector<16xf32>
      %mul3A_636 = arith.constant 256 : i32
      %mul3A_637 = arith.muli %scan3A_376, %mul3A_636 : i32
      %add3A_638 = arith.constant 64 : i32
      %add3A_639 = arith.addi %mul3A_637, %add3A_638 : i32
      %swap3A_640 = arith.index_cast %add3A_639 : i32 to index
      %swap3A_641 = tpu.vector_load %arg16[%swap3A_640] {strides = array<i32>} : memref<6400xf32, #tpu.memory_space<vmem>>, vector<16xf32>,
      tpu.vector_store %arg16[%swap3A_640], %add3A_620 {strides = array<i32>} : memref<6400xf32, #tpu.memory_space<vmem>>, vector<16xf32>,
      %add3A_642 = arith.constant 128 : i32
      %add3A_643 = arith.addi %add3A_639, %add3A_642 : i32
      %swap3A_644 = arith.index_cast %add3A_643 : i32 to index
      %swap3A_645 = tpu.vector_load %arg16[%swap3A_644] {strides = array<i32>} : memref<6400xf32, #tpu.memory_space<vmem>>, vector<16xf32>,
      tpu.vector_store %arg16[%swap3A_644], %add3A_635 {strides = array<i32>} : memref<6400xf32, #tpu.memory_space<vmem>>, vector<16xf32>,
      %mul3A_646 = arith.constant 128 : i32
      %mul3A_647 = arith.muli %scan3A_376, %mul3A_646 : i32
      %add3A_648 = arith.constant 80 : i32
      %add3A_649 = arith.addi %mul3A_647, %add3A_648 : i32
      %get3A_650 = arith.index_cast %add3A_649 : i32 to index
      %get3A_651 = tpu.vector_load %arg14[%get3A_650] {strides = array<i32>} : memref<9600xf32, #tpu.memory_space<vmem>>, vector<16xf32>,
      %add3A_652 = arith.constant 3200 : i32
      %add3A_653 = arith.addi %add3A_652, %add3A_649 : i32
      %get3A_654 = arith.index_cast %add3A_653 : i32 to index
      %get3A_655 = tpu.vector_load %arg14[%get3A_654] {strides = array<i32>} : memref<9600xf32, #tpu.memory_space<vmem>>, vector<16xf32>,
      %add3A_656 = arith.constant 6400 : i32
      %add3A_657 = arith.addi %add3A_656, %add3A_649 : i32
      %get3A_658 = arith.index_cast %add3A_657 : i32 to index
      %get3A_659 = tpu.vector_load %arg14[%get3A_658] {strides = array<i32>} : memref<9600xf32, #tpu.memory_space<vmem>>, vector<16xf32>,
      %get3A_660 = arith.index_cast %add3A_649 : i32 to index
      %get3A_661 = tpu.vector_load %arg10[%get3A_660] {strides = array<i32>} : memref<9600xf32, #tpu.memory_space<vmem>>, vector<16xf32>,
      %mul3A_662 = arith.mulf %get3A_661, %get3A_651 : vector<16xf32>
      %add3A_663 = arith.constant 3200 : i32
      %add3A_664 = arith.addi %add3A_663, %add3A_649 : i32
      %get3A_665 = arith.index_cast %add3A_664 : i32 to index
      %get3A_666 = tpu.vector_load %arg10[%get3A_665] {strides = array<i32>} : memref<9600xf32, #tpu.memory_space<vmem>>, vector<16xf32>,
      %mul3A_667 = arith.mulf %get3A_666, %get3A_655 : vector<16xf32>
      %add3A_668 = arith.addf %mul3A_662, %mul3A_667 : vector<16xf32>
      %add3A_669 = arith.constant 6400 : i32
      %add3A_670 = arith.addi %add3A_669, %add3A_649 : i32
      %get3A_671 = arith.index_cast %add3A_670 : i32 to index
      %get3A_672 = tpu.vector_load %arg10[%get3A_671] {strides = array<i32>} : memref<9600xf32, #tpu.memory_space<vmem>>, vector<16xf32>,
      %mul3A_673 = arith.mulf %get3A_672, %get3A_659 : vector<16xf32>
      %add3A_674 = arith.addf %add3A_668, %mul3A_673 : vector<16xf32>
      %get3A_675 = arith.index_cast %add3A_649 : i32 to index
      %get3A_676 = tpu.vector_load %arg12[%get3A_675] {strides = array<i32>} : memref<9600xf32, #tpu.memory_space<vmem>>, vector<16xf32>,
      %mul3A_677 = arith.mulf %get3A_676, %get3A_651 : vector<16xf32>
      %add3A_678 = arith.constant 3200 : i32
      %add3A_679 = arith.addi %add3A_678, %add3A_649 : i32
      %get3A_680 = arith.index_cast %add3A_679 : i32 to index
      %get3A_681 = tpu.vector_load %arg12[%get3A_680] {strides = array<i32>} : memref<9600xf32, #tpu.memory_space<vmem>>, vector<16xf32>,
      %mul3A_682 = arith.mulf %get3A_681, %get3A_655 : vector<16xf32>
      %add3A_683 = arith.addf %mul3A_677, %mul3A_682 : vector<16xf32>
      %add3A_684 = arith.constant 6400 : i32
      %add3A_685 = arith.addi %add3A_684, %add3A_649 : i32
      %get3A_686 = arith.index_cast %add3A_685 : i32 to index
      %get3A_687 = tpu.vector_load %arg12[%get3A_686] {strides = array<i32>} : memref<9600xf32, #tpu.memory_space<vmem>>, vector<16xf32>,
      %mul3A_688 = arith.mulf %get3A_687, %get3A_659 : vector<16xf32>
      %add3A_689 = arith.addf %add3A_683, %mul3A_688 : vector<16xf32>
      %mul3A_690 = arith.constant 256 : i32
      %mul3A_691 = arith.muli %scan3A_376, %mul3A_690 : i32
      %add3A_692 = arith.constant 80 : i32
      %add3A_693 = arith.addi %mul3A_691, %add3A_692 : i32
      %swap3A_694 = arith.index_cast %add3A_693 : i32 to index
      %swap3A_695 = tpu.vector_load %arg16[%swap3A_694] {strides = array<i32>} : memref<6400xf32, #tpu.memory_space<vmem>>, vector<16xf32>,
      tpu.vector_store %arg16[%swap3A_694], %add3A_674 {strides = array<i32>} : memref<6400xf32, #tpu.memory_space<vmem>>, vector<16xf32>,
      %add3A_696 = arith.constant 128 : i32
      %add3A_697 = arith.addi %add3A_693, %add3A_696 : i32
      %swap3A_698 = arith.index_cast %add3A_697 : i32 to index
      %swap3A_699 = tpu.vector_load %arg16[%swap3A_698] {strides = array<i32>} : memref<6400xf32, #tpu.memory_space<vmem>>, vector<16xf32>,
      tpu.vector_store %arg16[%swap3A_698], %add3A_689 {strides = array<i32>} : memref<6400xf32, #tpu.memory_space<vmem>>, vector<16xf32>,
      %mul3A_700 = arith.constant 128 : i32
      %mul3A_701 = arith.muli %scan3A_376, %mul3A_700 : i32
      %add3A_702 = arith.constant 96 : i32
      %add3A_703 = arith.addi %mul3A_701, %add3A_702 : i32
      %get3A_704 = arith.index_cast %add3A_703 : i32 to index
      %get3A_705 = tpu.vector_load %arg14[%get3A_704] {strides = array<i32>} : memref<9600xf32, #tpu.memory_space<vmem>>, vector<16xf32>,
      %add3A_706 = arith.constant 3200 : i32
      %add3A_707 = arith.addi %add3A_706, %add3A_703 : i32
      %get3A_708 = arith.index_cast %add3A_707 : i32 to index
      %get3A_709 = tpu.vector_load %arg14[%get3A_708] {strides = array<i32>} : memref<9600xf32, #tpu.memory_space<vmem>>, vector<16xf32>,
      %add3A_710 = arith.constant 6400 : i32
      %add3A_711 = arith.addi %add3A_710, %add3A_703 : i32
      %get3A_712 = arith.index_cast %add3A_711 : i32 to index
      %get3A_713 = tpu.vector_load %arg14[%get3A_712] {strides = array<i32>} : memref<9600xf32, #tpu.memory_space<vmem>>, vector<16xf32>,
      %get3A_714 = arith.index_cast %add3A_703 : i32 to index
      %get3A_715 = tpu.vector_load %arg10[%get3A_714] {strides = array<i32>} : memref<9600xf32, #tpu.memory_space<vmem>>, vector<16xf32>,
      %mul3A_716 = arith.mulf %get3A_715, %get3A_705 : vector<16xf32>
      %add3A_717 = arith.constant 3200 : i32
      %add3A_718 = arith.addi %add3A_717, %add3A_703 : i32
      %get3A_719 = arith.index_cast %add3A_718 : i32 to index
      %get3A_720 = tpu.vector_load %arg10[%get3A_719] {strides = array<i32>} : memref<9600xf32, #tpu.memory_space<vmem>>, vector<16xf32>,
      %mul3A_721 = arith.mulf %get3A_720, %get3A_709 : vector<16xf32>
      %add3A_722 = arith.addf %mul3A_716, %mul3A_721 : vector<16xf32>
      %add3A_723 = arith.constant 6400 : i32
      %add3A_724 = arith.addi %add3A_723, %add3A_703 : i32
      %get3A_725 = arith.index_cast %add3A_724 : i32 to index
      %get3A_726 = tpu.vector_load %arg10[%get3A_725] {strides = array<i32>} : memref<9600xf32, #tpu.memory_space<vmem>>, vector<16xf32>,
      %mul3A_727 = arith.mulf %get3A_726, %get3A_713 : vector<16xf32>
      %add3A_728 = arith.addf %add3A_722, %mul3A_727 : vector<16xf32>
      %get3A_729 = arith.index_cast %add3A_703 : i32 to index
      %get3A_730 = tpu.vector_load %arg12[%get3A_729] {strides = array<i32>} : memref<9600xf32, #tpu.memory_space<vmem>>, vector<16xf32>,
      %mul3A_731 = arith.mulf %get3A_730, %get3A_705 : vector<16xf32>
      %add3A_732 = arith.constant 3200 : i32
      %add3A_733 = arith.addi %add3A_732, %add3A_703 : i32
      %get3A_734 = arith.index_cast %add3A_733 : i32 to index
      %get3A_735 = tpu.vector_load %arg12[%get3A_734] {strides = array<i32>} : memref<9600xf32, #tpu.memory_space<vmem>>, vector<16xf32>,
      %mul3A_736 = arith.mulf %get3A_735, %get3A_709 : vector<16xf32>
      %add3A_737 = arith.addf %mul3A_731, %mul3A_736 : vector<16xf32>
      %add3A_738 = arith.constant 6400 : i32
      %add3A_739 = arith.addi %add3A_738, %add3A_703 : i32
      %get3A_740 = arith.index_cast %add3A_739 : i32 to index
      %get3A_741 = tpu.vector_load %arg12[%get3A_740] {strides = array<i32>} : memref<9600xf32, #tpu.memory_space<vmem>>, vector<16xf32>,
      %mul3A_742 = arith.mulf %get3A_741, %get3A_713 : vector<16xf32>
      %add3A_743 = arith.addf %add3A_737, %mul3A_742 : vector<16xf32>
      %mul3A_744 = arith.constant 256 : i32
      %mul3A_745 = arith.muli %scan3A_376, %mul3A_744 : i32
      %add3A_746 = arith.constant 96 : i32
      %add3A_747 = arith.addi %mul3A_745, %add3A_746 : i32
      %swap3A_748 = arith.index_cast %add3A_747 : i32 to index
      %swap3A_749 = tpu.vector_load %arg16[%swap3A_748] {strides = array<i32>} : memref<6400xf32, #tpu.memory_space<vmem>>, vector<16xf32>,
      tpu.vector_store %arg16[%swap3A_748], %add3A_728 {strides = array<i32>} : memref<6400xf32, #tpu.memory_space<vmem>>, vector<16xf32>,
      %add3A_750 = arith.constant 128 : i32
      %add3A_751 = arith.addi %add3A_747, %add3A_750 : i32
      %swap3A_752 = arith.index_cast %add3A_751 : i32 to index
      %swap3A_753 = tpu.vector_load %arg16[%swap3A_752] {strides = array<i32>} : memref<6400xf32, #tpu.memory_space<vmem>>, vector<16xf32>,
      tpu.vector_store %arg16[%swap3A_752], %add3A_743 {strides = array<i32>} : memref<6400xf32, #tpu.memory_space<vmem>>, vector<16xf32>,
      %mul3A_754 = arith.constant 128 : i32
      %mul3A_755 = arith.muli %scan3A_376, %mul3A_754 : i32
      %add3A_756 = arith.constant 112 : i32
      %add3A_757 = arith.addi %mul3A_755, %add3A_756 : i32
      %get3A_758 = arith.index_cast %add3A_757 : i32 to index
      %get3A_759 = tpu.vector_load %arg14[%get3A_758] {strides = array<i32>} : memref<9600xf32, #tpu.memory_space<vmem>>, vector<16xf32>,
      %add3A_760 = arith.constant 3200 : i32
      %add3A_761 = arith.addi %add3A_760, %add3A_757 : i32
      %get3A_762 = arith.index_cast %add3A_761 : i32 to index
      %get3A_763 = tpu.vector_load %arg14[%get3A_762] {strides = array<i32>} : memref<9600xf32, #tpu.memory_space<vmem>>, vector<16xf32>,
      %add3A_764 = arith.constant 6400 : i32
      %add3A_765 = arith.addi %add3A_764, %add3A_757 : i32
      %get3A_766 = arith.index_cast %add3A_765 : i32 to index
      %get3A_767 = tpu.vector_load %arg14[%get3A_766] {strides = array<i32>} : memref<9600xf32, #tpu.memory_space<vmem>>, vector<16xf32>,
      %get3A_768 = arith.index_cast %add3A_757 : i32 to index
      %get3A_769 = tpu.vector_load %arg10[%get3A_768] {strides = array<i32>} : memref<9600xf32, #tpu.memory_space<vmem>>, vector<16xf32>,
      %mul3A_770 = arith.mulf %get3A_769, %get3A_759 : vector<16xf32>
      %add3A_771 = arith.constant 3200 : i32
      %add3A_772 = arith.addi %add3A_771, %add3A_757 : i32
      %get3A_773 = arith.index_cast %add3A_772 : i32 to index
      %get3A_774 = tpu.vector_load %arg10[%get3A_773] {strides = array<i32>} : memref<9600xf32, #tpu.memory_space<vmem>>, vector<16xf32>,
      %mul3A_775 = arith.mulf %get3A_774, %get3A_763 : vector<16xf32>
      %add3A_776 = arith.addf %mul3A_770, %mul3A_775 : vector<16xf32>
      %add3A_777 = arith.constant 6400 : i32
      %add3A_778 = arith.addi %add3A_777, %add3A_757 : i32
      %get3A_779 = arith.index_cast %add3A_778 : i32 to index
      %get3A_780 = tpu.vector_load %arg10[%get3A_779] {strides = array<i32>} : memref<9600xf32, #tpu.memory_space<vmem>>, vector<16xf32>,
      %mul3A_781 = arith.mulf %get3A_780, %get3A_767 : vector<16xf32>
      %add3A_782 = arith.addf %add3A_776, %mul3A_781 : vector<16xf32>
      %get3A_783 = arith.index_cast %add3A_757 : i32 to index
      %get3A_784 = tpu.vector_load %arg12[%get3A_783] {strides = array<i32>} : memref<9600xf32, #tpu.memory_space<vmem>>, vector<16xf32>,
      %mul3A_785 = arith.mulf %get3A_784, %get3A_759 : vector<16xf32>
      %add3A_786 = arith.constant 3200 : i32
      %add3A_787 = arith.addi %add3A_786, %add3A_757 : i32
      %get3A_788 = arith.index_cast %add3A_787 : i32 to index
      %get3A_789 = tpu.vector_load %arg12[%get3A_788] {strides = array<i32>} : memref<9600xf32, #tpu.memory_space<vmem>>, vector<16xf32>,
      %mul3A_790 = arith.mulf %get3A_789, %get3A_763 : vector<16xf32>
      %add3A_791 = arith.addf %mul3A_785, %mul3A_790 : vector<16xf32>
      %add3A_792 = arith.constant 6400 : i32
      %add3A_793 = arith.addi %add3A_792, %add3A_757 : i32
      %get3A_794 = arith.index_cast %add3A_793 : i32 to index
      %get3A_795 = tpu.vector_load %arg12[%get3A_794] {strides = array<i32>} : memref<9600xf32, #tpu.memory_space<vmem>>, vector<16xf32>,
      %mul3A_796 = arith.mulf %get3A_795, %get3A_767 : vector<16xf32>
      %add3A_797 = arith.addf %add3A_791, %mul3A_796 : vector<16xf32>
      %mul3A_798 = arith.constant 256 : i32
      %mul3A_799 = arith.muli %scan3A_376, %mul3A_798 : i32
      %add3A_800 = arith.constant 112 : i32
      %add3A_801 = arith.addi %mul3A_799, %add3A_800 : i32
      %swap3A_802 = arith.index_cast %add3A_801 : i32 to index
      %swap3A_803 = tpu.vector_load %arg16[%swap3A_802] {strides = array<i32>} : memref<6400xf32, #tpu.memory_space<vmem>>, vector<16xf32>,
      tpu.vector_store %arg16[%swap3A_802], %add3A_782 {strides = array<i32>} : memref<6400xf32, #tpu.memory_space<vmem>>, vector<16xf32>,
      %add3A_804 = arith.constant 128 : i32
      %add3A_805 = arith.addi %add3A_801, %add3A_804 : i32
      %swap3A_806 = arith.index_cast %add3A_805 : i32 to index
      %swap3A_807 = tpu.vector_load %arg16[%swap3A_806] {strides = array<i32>} : memref<6400xf32, #tpu.memory_space<vmem>>, vector<16xf32>,
      tpu.vector_store %arg16[%swap3A_806], %add3A_797 {strides = array<i32>} : memref<6400xf32, #tpu.memory_space<vmem>>, vector<16xf32>,
      %scan3A_808 = arith.constant 0 : i32
      scf.yield %scan3A_808 : i32
    }
    %scan3A_334 = arith.constant 25 : i32
    %add3A_335 = arith.constant 0 : i32
    %add3A_336 = arith.addi %min3A_3, %add3A_335 : i32
    %mul3A_337 = arith.constant 2 : i32
    %mul3A_338 = arith.muli %mul3A_337, %add3A_336 : i32
    %dma_start3A_339 = tpu.memref_slice %arg6[%mul3A_338] : memref<399616xf32, #tpu.memory_space<hbm>> -> memref<6400xf32, #tpu.memory_space<hbm>>
    %dma_start3A_340 = tpu.memref_slice %arg6[%mul3A_338] : memref<399616xf32, #tpu.memory_space<hbm>> -> memref<6400xf32, #tpu.memory_space<hbm>>
    tpu.enqueue_dma source(%arg16 : memref<6400xf32, #tpu.memory_space<vmem>>) target(%dma_start3A_340 : memref<6400xf32, #tpu.memory_space<hbm>>) target_semaphore(%arg23 : memref<!tpu.dma_semaphore, #tpu.memory_space<semaphore_mem>>)
    %dma_wait3A_341 = arith.constant 0 : i32
    %dma_wait3A_342 = tpu.memref_slice %arg15[%dma_wait3A_341] : memref<9600xf32, #tpu.memory_space<vmem>> -> memref<3200xf32, #tpu.memory_space<vmem>>
    %dma_wait3A_343 = arith.constant 0 : i32
    %dma_wait3A_344 = tpu.memref_slice %arg9[%dma_wait3A_343] : memref<9600xi32, #tpu.memory_space<vmem>> -> memref<3200xi32, #tpu.memory_space<vmem>>
    %dma_wait3A_345 = arith.constant 0 : i32
    %dma_wait3A_346 = tpu.memref_slice %arg7[%dma_wait3A_345] : memref<100608xf32, #tpu.memory_space<vmem_shared>> -> memref<100608xf32, #tpu.memory_space<vmem_shared>>
    tpu.wait_indirect_dma semaphore(%arg22 : memref<!tpu.dma_semaphore, #tpu.memory_space<semaphore_mem>>) src(%dma_wait3A_346 : memref<100608xf32, #tpu.memory_space<vmem_shared>>) dst(%dma_wait3A_342 : memref<3200xf32, #tpu.memory_space<vmem>>)
    %dma_wait3A_347 = arith.constant 3200 : i32
    %dma_wait3A_348 = tpu.memref_slice %arg15[%dma_wait3A_347] : memref<9600xf32, #tpu.memory_space<vmem>> -> memref<3200xf32, #tpu.memory_space<vmem>>
    %dma_wait3A_349 = arith.constant 3200 : i32
    %dma_wait3A_350 = tpu.memref_slice %arg9[%dma_wait3A_349] : memref<9600xi32, #tpu.memory_space<vmem>> -> memref<3200xi32, #tpu.memory_space<vmem>>
    %dma_wait3A_351 = arith.constant 0 : i32
    %dma_wait3A_352 = tpu.memref_slice %arg7[%dma_wait3A_351] : memref<100608xf32, #tpu.memory_space<vmem_shared>> -> memref<100608xf32, #tpu.memory_space<vmem_shared>>
    tpu.wait_indirect_dma semaphore(%arg22 : memref<!tpu.dma_semaphore, #tpu.memory_space<semaphore_mem>>) src(%dma_wait3A_352 : memref<100608xf32, #tpu.memory_space<vmem_shared>>) dst(%dma_wait3A_348 : memref<3200xf32, #tpu.memory_space<vmem>>)
    %dma_wait3A_353 = arith.constant 6400 : i32
    %dma_wait3A_354 = tpu.memref_slice %arg15[%dma_wait3A_353] : memref<9600xf32, #tpu.memory_space<vmem>> -> memref<3200xf32, #tpu.memory_space<vmem>>
    %dma_wait3A_355 = arith.constant 6400 : i32
    %dma_wait3A_356 = tpu.memref_slice %arg9[%dma_wait3A_355] : memref<9600xi32, #tpu.memory_space<vmem>> -> memref<3200xi32, #tpu.memory_space<vmem>>
    %dma_wait3A_357 = arith.constant 0 : i32
    %dma_wait3A_358 = tpu.memref_slice %arg7[%dma_wait3A_357] : memref<100608xf32, #tpu.memory_space<vmem_shared>> -> memref<100608xf32, #tpu.memory_space<vmem_shared>>
    tpu.wait_indirect_dma semaphore(%arg22 : memref<!tpu.dma_semaphore, #tpu.memory_space<semaphore_mem>>) src(%dma_wait3A_358 : memref<100608xf32, #tpu.memory_space<vmem_shared>>) dst(%dma_wait3A_354 : memref<3200xf32, #tpu.memory_space<vmem>>)
    %scan3A_359 = arith.constant 0 : i32
    %scan3A_360 = arith.constant 0 : i32
    %scan3A_361 = arith.constant 25 : i32
    %scan3A_362 = arith.addi %scan3A_360, %scan3A_361 : i32
    %scan3A_363 = arith.constant 1 : i32
    %scan3A_364 = scf.for %scan3A_376 = %scan3A_360 to %scan3A_362 step %scan3A_363 iter_args(%scan3A_377 = %scan3A_359) -> (i32)  : i32 {
      %mul3A_378 = arith.constant 128 : i32
      %mul3A_379 = arith.muli %scan3A_376, %mul3A_378 : i32
      %add3A_380 = arith.constant 0 : i32
      %add3A_381 = arith.addi %mul3A_379, %add3A_380 : i32
      %get3A = arith.index_cast %add3A_381 : i32 to index
      %get3A_382 = tpu.vector_load %arg15[%get3A] {strides = array<i32>} : memref<9600xf32, #tpu.memory_space<vmem>>, vector<16xf32>,
      %add3A_383 = arith.constant 3200 : i32
      %add3A_384 = arith.addi %add3A_383, %add3A_381 : i32
      %get3A_385 = arith.index_cast %add3A_384 : i32 to index
      %get3A_386 = tpu.vector_load %arg15[%get3A_385] {strides = array<i32>} : memref<9600xf32, #tpu.memory_space<vmem>>, vector<16xf32>,
      %add3A_387 = arith.constant 6400 : i32
      %add3A_388 = arith.addi %add3A_387, %add3A_381 : i32
      %get3A_389 = arith.index_cast %add3A_388 : i32 to index
      %get3A_390 = tpu.vector_load %arg15[%get3A_389] {strides = array<i32>} : memref<9600xf32, #tpu.memory_space<vmem>>, vector<16xf32>,
      %get3A_391 = arith.index_cast %add3A_381 : i32 to index
      %get3A_392 = tpu.vector_load %arg11[%get3A_391] {strides = array<i32>} : memref<9600xf32, #tpu.memory_space<vmem>>, vector<16xf32>,
      %mul3A_393 = arith.mulf %get3A_392, %get3A_382 : vector<16xf32>
      %add3A_394 = arith.constant 3200 : i32
      %add3A_395 = arith.addi %add3A_394, %add3A_381 : i32
      %get3A_396 = arith.index_cast %add3A_395 : i32 to index
      %get3A_397 = tpu.vector_load %arg11[%get3A_396] {strides = array<i32>} : memref<9600xf32, #tpu.memory_space<vmem>>, vector<16xf32>,
      %mul3A_398 = arith.mulf %get3A_397, %get3A_386 : vector<16xf32>
      %add3A_399 = arith.addf %mul3A_393, %mul3A_398 : vector<16xf32>
      %add3A_400 = arith.constant 6400 : i32
      %add3A_401 = arith.addi %add3A_400, %add3A_381 : i32
      %get3A_402 = arith.index_cast %add3A_401 : i32 to index
      %get3A_403 = tpu.vector_load %arg11[%get3A_402] {strides = array<i32>} : memref<9600xf32, #tpu.memory_space<vmem>>, vector<16xf32>,
      %mul3A_404 = arith.mulf %get3A_403, %get3A_390 : vector<16xf32>
      %add3A_405 = arith.addf %add3A_399, %mul3A_404 : vector<16xf32>
      %get3A_406 = arith.index_cast %add3A_381 : i32 to index
      %get3A_407 = tpu.vector_load %arg13[%get3A_406] {strides = array<i32>} : memref<9600xf32, #tpu.memory_space<vmem>>, vector<16xf32>,
      %mul3A_408 = arith.mulf %get3A_407, %get3A_382 : vector<16xf32>
      %add3A_409 = arith.constant 3200 : i32
      %add3A_410 = arith.addi %add3A_409, %add3A_381 : i32
      %get3A_411 = arith.index_cast %add3A_410 : i32 to index
      %get3A_412 = tpu.vector_load %arg13[%get3A_411] {strides = array<i32>} : memref<9600xf32, #tpu.memory_space<vmem>>, vector<16xf32>,
      %mul3A_413 = arith.mulf %get3A_412, %get3A_386 : vector<16xf32>
      %add3A_414 = arith.addf %mul3A_408, %mul3A_413 : vector<16xf32>
      %add3A_415 = arith.constant 6400 : i32
      %add3A_416 = arith.addi %add3A_415, %add3A_381 : i32
      %get3A_417 = arith.index_cast %add3A_416 : i32 to index
      %get3A_418 = tpu.vector_load %arg13[%get3A_417] {strides = array<i32>} : memref<9600xf32, #tpu.memory_space<vmem>>, vector<16xf32>,
      %mul3A_419 = arith.mulf %get3A_418, %get3A_390 : vector<16xf32>
      %add3A_420 = arith.addf %add3A_414, %mul3A_419 : vector<16xf32>
      %mul3A_421 = arith.constant 256 : i32
      %mul3A_422 = arith.muli %scan3A_376, %mul3A_421 : i32
      %add3A_423 = arith.constant 0 : i32
      %add3A_424 = arith.addi %mul3A_422, %add3A_423 : i32
      %swap3A = arith.index_cast %add3A_424 : i32 to index
      %swap3A_425 = tpu.vector_load %arg17[%swap3A] {strides = array<i32>} : memref<6400xf32, #tpu.memory_space<vmem>>, vector<16xf32>,
      tpu.vector_store %arg17[%swap3A], %add3A_405 {strides = array<i32>} : memref<6400xf32, #tpu.memory_space<vmem>>, vector<16xf32>,
      %add3A_426 = arith.constant 128 : i32
      %add3A_427 = arith.addi %add3A_424, %add3A_426 : i32
      %swap3A_428 = arith.index_cast %add3A_427 : i32 to index
      %swap3A_429 = tpu.vector_load %arg17[%swap3A_428] {strides = array<i32>} : memref<6400xf32, #tpu.memory_space<vmem>>, vector<16xf32>,
      tpu.vector_store %arg17[%swap3A_428], %add3A_420 {strides = array<i32>} : memref<6400xf32, #tpu.memory_space<vmem>>, vector<16xf32>,
      %mul3A_430 = arith.constant 128 : i32
      %mul3A_431 = arith.muli %scan3A_376, %mul3A_430 : i32
      %add3A_432 = arith.constant 16 : i32
      %add3A_433 = arith.addi %mul3A_431, %add3A_432 : i32
      %get3A_434 = arith.index_cast %add3A_433 : i32 to index
      %get3A_435 = tpu.vector_load %arg15[%get3A_434] {strides = array<i32>} : memref<9600xf32, #tpu.memory_space<vmem>>, vector<16xf32>,
      %add3A_436 = arith.constant 3200 : i32
      %add3A_437 = arith.addi %add3A_436, %add3A_433 : i32
      %get3A_438 = arith.index_cast %add3A_437 : i32 to index
      %get3A_439 = tpu.vector_load %arg15[%get3A_438] {strides = array<i32>} : memref<9600xf32, #tpu.memory_space<vmem>>, vector<16xf32>,
      %add3A_440 = arith.constant 6400 : i32
      %add3A_441 = arith.addi %add3A_440, %add3A_433 : i32
      %get3A_442 = arith.index_cast %add3A_441 : i32 to index
      %get3A_443 = tpu.vector_load %arg15[%get3A_442] {strides = array<i32>} : memref<9600xf32, #tpu.memory_space<vmem>>, vector<16xf32>,
      %get3A_444 = arith.index_cast %add3A_433 : i32 to index
      %get3A_445 = tpu.vector_load %arg11[%get3A_444] {strides = array<i32>} : memref<9600xf32, #tpu.memory_space<vmem>>, vector<16xf32>,
      %mul3A_446 = arith.mulf %get3A_445, %get3A_435 : vector<16xf32>
      %add3A_447 = arith.constant 3200 : i32
      %add3A_448 = arith.addi %add3A_447, %add3A_433 : i32
      %get3A_449 = arith.index_cast %add3A_448 : i32 to index
      %get3A_450 = tpu.vector_load %arg11[%get3A_449] {strides = array<i32>} : memref<9600xf32, #tpu.memory_space<vmem>>, vector<16xf32>,
      %mul3A_451 = arith.mulf %get3A_450, %get3A_439 : vector<16xf32>
      %add3A_452 = arith.addf %mul3A_446, %mul3A_451 : vector<16xf32>
      %add3A_453 = arith.constant 6400 : i32
      %add3A_454 = arith.addi %add3A_453, %add3A_433 : i32
      %get3A_455 = arith.index_cast %add3A_454 : i32 to index
      %get3A_456 = tpu.vector_load %arg11[%get3A_455] {strides = array<i32>} : memref<9600xf32, #tpu.memory_space<vmem>>, vector<16xf32>,
      %mul3A_457 = arith.mulf %get3A_456, %get3A_443 : vector<16xf32>
      %add3A_458 = arith.addf %add3A_452, %mul3A_457 : vector<16xf32>
      %get3A_459 = arith.index_cast %add3A_433 : i32 to index
      %get3A_460 = tpu.vector_load %arg13[%get3A_459] {strides = array<i32>} : memref<9600xf32, #tpu.memory_space<vmem>>, vector<16xf32>,
      %mul3A_461 = arith.mulf %get3A_460, %get3A_435 : vector<16xf32>
      %add3A_462 = arith.constant 3200 : i32
      %add3A_463 = arith.addi %add3A_462, %add3A_433 : i32
      %get3A_464 = arith.index_cast %add3A_463 : i32 to index
      %get3A_465 = tpu.vector_load %arg13[%get3A_464] {strides = array<i32>} : memref<9600xf32, #tpu.memory_space<vmem>>, vector<16xf32>,
      %mul3A_466 = arith.mulf %get3A_465, %get3A_439 : vector<16xf32>
      %add3A_467 = arith.addf %mul3A_461, %mul3A_466 : vector<16xf32>
      %add3A_468 = arith.constant 6400 : i32
      %add3A_469 = arith.addi %add3A_468, %add3A_433 : i32
      %get3A_470 = arith.index_cast %add3A_469 : i32 to index
      %get3A_471 = tpu.vector_load %arg13[%get3A_470] {strides = array<i32>} : memref<9600xf32, #tpu.memory_space<vmem>>, vector<16xf32>,
      %mul3A_472 = arith.mulf %get3A_471, %get3A_443 : vector<16xf32>
      %add3A_473 = arith.addf %add3A_467, %mul3A_472 : vector<16xf32>
      %mul3A_474 = arith.constant 256 : i32
      %mul3A_475 = arith.muli %scan3A_376, %mul3A_474 : i32
      %add3A_476 = arith.constant 16 : i32
      %add3A_477 = arith.addi %mul3A_475, %add3A_476 : i32
      %swap3A_478 = arith.index_cast %add3A_477 : i32 to index
      %swap3A_479 = tpu.vector_load %arg17[%swap3A_478] {strides = array<i32>} : memref<6400xf32, #tpu.memory_space<vmem>>, vector<16xf32>,
      tpu.vector_store %arg17[%swap3A_478], %add3A_458 {strides = array<i32>} : memref<6400xf32, #tpu.memory_space<vmem>>, vector<16xf32>,
      %add3A_480 = arith.constant 128 : i32
      %add3A_481 = arith.addi %add3A_477, %add3A_480 : i32
      %swap3A_482 = arith.index_cast %add3A_481 : i32 to index
      %swap3A_483 = tpu.vector_load %arg17[%swap3A_482] {strides = array<i32>} : memref<6400xf32, #tpu.memory_space<vmem>>, vector<16xf32>,
      tpu.vector_store %arg17[%swap3A_482], %add3A_473 {strides = array<i32>} : memref<6400xf32, #tpu.memory_space<vmem>>, vector<16xf32>,
      %mul3A_484 = arith.constant 128 : i32
      %mul3A_485 = arith.muli %scan3A_376, %mul3A_484 : i32
      %add3A_486 = arith.constant 32 : i32
      %add3A_487 = arith.addi %mul3A_485, %add3A_486 : i32
      %get3A_488 = arith.index_cast %add3A_487 : i32 to index
      %get3A_489 = tpu.vector_load %arg15[%get3A_488] {strides = array<i32>} : memref<9600xf32, #tpu.memory_space<vmem>>, vector<16xf32>,
      %add3A_490 = arith.constant 3200 : i32
      %add3A_491 = arith.addi %add3A_490, %add3A_487 : i32
      %get3A_492 = arith.index_cast %add3A_491 : i32 to index
      %get3A_493 = tpu.vector_load %arg15[%get3A_492] {strides = array<i32>} : memref<9600xf32, #tpu.memory_space<vmem>>, vector<16xf32>,
      %add3A_494 = arith.constant 6400 : i32
      %add3A_495 = arith.addi %add3A_494, %add3A_487 : i32
      %get3A_496 = arith.index_cast %add3A_495 : i32 to index
      %get3A_497 = tpu.vector_load %arg15[%get3A_496] {strides = array<i32>} : memref<9600xf32, #tpu.memory_space<vmem>>, vector<16xf32>,
      %get3A_498 = arith.index_cast %add3A_487 : i32 to index
      %get3A_499 = tpu.vector_load %arg11[%get3A_498] {strides = array<i32>} : memref<9600xf32, #tpu.memory_space<vmem>>, vector<16xf32>,
      %mul3A_500 = arith.mulf %get3A_499, %get3A_489 : vector<16xf32>
      %add3A_501 = arith.constant 3200 : i32
      %add3A_502 = arith.addi %add3A_501, %add3A_487 : i32
      %get3A_503 = arith.index_cast %add3A_502 : i32 to index
      %get3A_504 = tpu.vector_load %arg11[%get3A_503] {strides = array<i32>} : memref<9600xf32, #tpu.memory_space<vmem>>, vector<16xf32>,
      %mul3A_505 = arith.mulf %get3A_504, %get3A_493 : vector<16xf32>
      %add3A_506 = arith.addf %mul3A_500, %mul3A_505 : vector<16xf32>
      %add3A_507 = arith.constant 6400 : i32
      %add3A_508 = arith.addi %add3A_507, %add3A_487 : i32
      %get3A_509 = arith.index_cast %add3A_508 : i32 to index
      %get3A_510 = tpu.vector_load %arg11[%get3A_509] {strides = array<i32>} : memref<9600xf32, #tpu.memory_space<vmem>>, vector<16xf32>,
      %mul3A_511 = arith.mulf %get3A_510, %get3A_497 : vector<16xf32>
      %add3A_512 = arith.addf %add3A_506, %mul3A_511 : vector<16xf32>
      %get3A_513 = arith.index_cast %add3A_487 : i32 to index
      %get3A_514 = tpu.vector_load %arg13[%get3A_513] {strides = array<i32>} : memref<9600xf32, #tpu.memory_space<vmem>>, vector<16xf32>,
      %mul3A_515 = arith.mulf %get3A_514, %get3A_489 : vector<16xf32>
      %add3A_516 = arith.constant 3200 : i32
      %add3A_517 = arith.addi %add3A_516, %add3A_487 : i32
      %get3A_518 = arith.index_cast %add3A_517 : i32 to index
      %get3A_519 = tpu.vector_load %arg13[%get3A_518] {strides = array<i32>} : memref<9600xf32, #tpu.memory_space<vmem>>, vector<16xf32>,
      %mul3A_520 = arith.mulf %get3A_519, %get3A_493 : vector<16xf32>
      %add3A_521 = arith.addf %mul3A_515, %mul3A_520 : vector<16xf32>
      %add3A_522 = arith.constant 6400 : i32
      %add3A_523 = arith.addi %add3A_522, %add3A_487 : i32
      %get3A_524 = arith.index_cast %add3A_523 : i32 to index
      %get3A_525 = tpu.vector_load %arg13[%get3A_524] {strides = array<i32>} : memref<9600xf32, #tpu.memory_space<vmem>>, vector<16xf32>,
      %mul3A_526 = arith.mulf %get3A_525, %get3A_497 : vector<16xf32>
      %add3A_527 = arith.addf %add3A_521, %mul3A_526 : vector<16xf32>
      %mul3A_528 = arith.constant 256 : i32
      %mul3A_529 = arith.muli %scan3A_376, %mul3A_528 : i32
      %add3A_530 = arith.constant 32 : i32
      %add3A_531 = arith.addi %mul3A_529, %add3A_530 : i32
      %swap3A_532 = arith.index_cast %add3A_531 : i32 to index
      %swap3A_533 = tpu.vector_load %arg17[%swap3A_532] {strides = array<i32>} : memref<6400xf32, #tpu.memory_space<vmem>>, vector<16xf32>,
      tpu.vector_store %arg17[%swap3A_532], %add3A_512 {strides = array<i32>} : memref<6400xf32, #tpu.memory_space<vmem>>, vector<16xf32>,
      %add3A_534 = arith.constant 128 : i32
      %add3A_535 = arith.addi %add3A_531, %add3A_534 : i32
      %swap3A_536 = arith.index_cast %add3A_535 : i32 to index
      %swap3A_537 = tpu.vector_load %arg17[%swap3A_536] {strides = array<i32>} : memref<6400xf32, #tpu.memory_space<vmem>>, vector<16xf32>,
      tpu.vector_store %arg17[%swap3A_536], %add3A_527 {strides = array<i32>} : memref<6400xf32, #tpu.memory_space<vmem>>, vector<16xf32>,
      %mul3A_538 = arith.constant 128 : i32
      %mul3A_539 = arith.muli %scan3A_376, %mul3A_538 : i32
      %add3A_540 = arith.constant 48 : i32
      %add3A_541 = arith.addi %mul3A_539, %add3A_540 : i32
      %get3A_542 = arith.index_cast %add3A_541 : i32 to index
      %get3A_543 = tpu.vector_load %arg15[%get3A_542] {strides = array<i32>} : memref<9600xf32, #tpu.memory_space<vmem>>, vector<16xf32>,
      %add3A_544 = arith.constant 3200 : i32
      %add3A_545 = arith.addi %add3A_544, %add3A_541 : i32
      %get3A_546 = arith.index_cast %add3A_545 : i32 to index
      %get3A_547 = tpu.vector_load %arg15[%get3A_546] {strides = array<i32>} : memref<9600xf32, #tpu.memory_space<vmem>>, vector<16xf32>,
      %add3A_548 = arith.constant 6400 : i32
      %add3A_549 = arith.addi %add3A_548, %add3A_541 : i32
      %get3A_550 = arith.index_cast %add3A_549 : i32 to index
      %get3A_551 = tpu.vector_load %arg15[%get3A_550] {strides = array<i32>} : memref<9600xf32, #tpu.memory_space<vmem>>, vector<16xf32>,
      %get3A_552 = arith.index_cast %add3A_541 : i32 to index
      %get3A_553 = tpu.vector_load %arg11[%get3A_552] {strides = array<i32>} : memref<9600xf32, #tpu.memory_space<vmem>>, vector<16xf32>,
      %mul3A_554 = arith.mulf %get3A_553, %get3A_543 : vector<16xf32>
      %add3A_555 = arith.constant 3200 : i32
      %add3A_556 = arith.addi %add3A_555, %add3A_541 : i32
      %get3A_557 = arith.index_cast %add3A_556 : i32 to index
      %get3A_558 = tpu.vector_load %arg11[%get3A_557] {strides = array<i32>} : memref<9600xf32, #tpu.memory_space<vmem>>, vector<16xf32>,
      %mul3A_559 = arith.mulf %get3A_558, %get3A_547 : vector<16xf32>
      %add3A_560 = arith.addf %mul3A_554, %mul3A_559 : vector<16xf32>
      %add3A_561 = arith.constant 6400 : i32
      %add3A_562 = arith.addi %add3A_561, %add3A_541 : i32
      %get3A_563 = arith.index_cast %add3A_562 : i32 to index
      %get3A_564 = tpu.vector_load %arg11[%get3A_563] {strides = array<i32>} : memref<9600xf32, #tpu.memory_space<vmem>>, vector<16xf32>,
      %mul3A_565 = arith.mulf %get3A_564, %get3A_551 : vector<16xf32>
      %add3A_566 = arith.addf %add3A_560, %mul3A_565 : vector<16xf32>
      %get3A_567 = arith.index_cast %add3A_541 : i32 to index
      %get3A_568 = tpu.vector_load %arg13[%get3A_567] {strides = array<i32>} : memref<9600xf32, #tpu.memory_space<vmem>>, vector<16xf32>,
      %mul3A_569 = arith.mulf %get3A_568, %get3A_543 : vector<16xf32>
      %add3A_570 = arith.constant 3200 : i32
      %add3A_571 = arith.addi %add3A_570, %add3A_541 : i32
      %get3A_572 = arith.index_cast %add3A_571 : i32 to index
      %get3A_573 = tpu.vector_load %arg13[%get3A_572] {strides = array<i32>} : memref<9600xf32, #tpu.memory_space<vmem>>, vector<16xf32>,
      %mul3A_574 = arith.mulf %get3A_573, %get3A_547 : vector<16xf32>
      %add3A_575 = arith.addf %mul3A_569, %mul3A_574 : vector<16xf32>
      %add3A_576 = arith.constant 6400 : i32
      %add3A_577 = arith.addi %add3A_576, %add3A_541 : i32
      %get3A_578 = arith.index_cast %add3A_577 : i32 to index
      %get3A_579 = tpu.vector_load %arg13[%get3A_578] {strides = array<i32>} : memref<9600xf32, #tpu.memory_space<vmem>>, vector<16xf32>,
      %mul3A_580 = arith.mulf %get3A_579, %get3A_551 : vector<16xf32>
      %add3A_581 = arith.addf %add3A_575, %mul3A_580 : vector<16xf32>
      %mul3A_582 = arith.constant 256 : i32
      %mul3A_583 = arith.muli %scan3A_376, %mul3A_582 : i32
      %add3A_584 = arith.constant 48 : i32
      %add3A_585 = arith.addi %mul3A_583, %add3A_584 : i32
      %swap3A_586 = arith.index_cast %add3A_585 : i32 to index
      %swap3A_587 = tpu.vector_load %arg17[%swap3A_586] {strides = array<i32>} : memref<6400xf32, #tpu.memory_space<vmem>>, vector<16xf32>,
      tpu.vector_store %arg17[%swap3A_586], %add3A_566 {strides = array<i32>} : memref<6400xf32, #tpu.memory_space<vmem>>, vector<16xf32>,
      %add3A_588 = arith.constant 128 : i32
      %add3A_589 = arith.addi %add3A_585, %add3A_588 : i32
      %swap3A_590 = arith.index_cast %add3A_589 : i32 to index
      %swap3A_591 = tpu.vector_load %arg17[%swap3A_590] {strides = array<i32>} : memref<6400xf32, #tpu.memory_space<vmem>>, vector<16xf32>,
      tpu.vector_store %arg17[%swap3A_590], %add3A_581 {strides = array<i32>} : memref<6400xf32, #tpu.memory_space<vmem>>, vector<16xf32>,
      %mul3A_592 = arith.constant 128 : i32
      %mul3A_593 = arith.muli %scan3A_376, %mul3A_592 : i32
      %add3A_594 = arith.constant 64 : i32
      %add3A_595 = arith.addi %mul3A_593, %add3A_594 : i32
      %get3A_596 = arith.index_cast %add3A_595 : i32 to index
      %get3A_597 = tpu.vector_load %arg15[%get3A_596] {strides = array<i32>} : memref<9600xf32, #tpu.memory_space<vmem>>, vector<16xf32>,
      %add3A_598 = arith.constant 3200 : i32
      %add3A_599 = arith.addi %add3A_598, %add3A_595 : i32
      %get3A_600 = arith.index_cast %add3A_599 : i32 to index
      %get3A_601 = tpu.vector_load %arg15[%get3A_600] {strides = array<i32>} : memref<9600xf32, #tpu.memory_space<vmem>>, vector<16xf32>,
      %add3A_602 = arith.constant 6400 : i32
      %add3A_603 = arith.addi %add3A_602, %add3A_595 : i32
      %get3A_604 = arith.index_cast %add3A_603 : i32 to index
      %get3A_605 = tpu.vector_load %arg15[%get3A_604] {strides = array<i32>} : memref<9600xf32, #tpu.memory_space<vmem>>, vector<16xf32>,
      %get3A_606 = arith.index_cast %add3A_595 : i32 to index
      %get3A_607 = tpu.vector_load %arg11[%get3A_606] {strides = array<i32>} : memref<9600xf32, #tpu.memory_space<vmem>>, vector<16xf32>,
      %mul3A_608 = arith.mulf %get3A_607, %get3A_597 : vector<16xf32>
      %add3A_609 = arith.constant 3200 : i32
      %add3A_610 = arith.addi %add3A_609, %add3A_595 : i32
      %get3A_611 = arith.index_cast %add3A_610 : i32 to index
      %get3A_612 = tpu.vector_load %arg11[%get3A_611] {strides = array<i32>} : memref<9600xf32, #tpu.memory_space<vmem>>, vector<16xf32>,
      %mul3A_613 = arith.mulf %get3A_612, %get3A_601 : vector<16xf32>
      %add3A_614 = arith.addf %mul3A_608, %mul3A_613 : vector<16xf32>
      %add3A_615 = arith.constant 6400 : i32
      %add3A_616 = arith.addi %add3A_615, %add3A_595 : i32
      %get3A_617 = arith.index_cast %add3A_616 : i32 to index
      %get3A_618 = tpu.vector_load %arg11[%get3A_617] {strides = array<i32>} : memref<9600xf32, #tpu.memory_space<vmem>>, vector<16xf32>,
      %mul3A_619 = arith.mulf %get3A_618, %get3A_605 : vector<16xf32>
      %add3A_620 = arith.addf %add3A_614, %mul3A_619 : vector<16xf32>
      %get3A_621 = arith.index_cast %add3A_595 : i32 to index
      %get3A_622 = tpu.vector_load %arg13[%get3A_621] {strides = array<i32>} : memref<9600xf32, #tpu.memory_space<vmem>>, vector<16xf32>,
      %mul3A_623 = arith.mulf %get3A_622, %get3A_597 : vector<16xf32>
      %add3A_624 = arith.constant 3200 : i32
      %add3A_625 = arith.addi %add3A_624, %add3A_595 : i32
      %get3A_626 = arith.index_cast %add3A_625 : i32 to index
      %get3A_627 = tpu.vector_load %arg13[%get3A_626] {strides = array<i32>} : memref<9600xf32, #tpu.memory_space<vmem>>, vector<16xf32>,
      %mul3A_628 = arith.mulf %get3A_627, %get3A_601 : vector<16xf32>
      %add3A_629 = arith.addf %mul3A_623, %mul3A_628 : vector<16xf32>
      %add3A_630 = arith.constant 6400 : i32
      %add3A_631 = arith.addi %add3A_630, %add3A_595 : i32
      %get3A_632 = arith.index_cast %add3A_631 : i32 to index
      %get3A_633 = tpu.vector_load %arg13[%get3A_632] {strides = array<i32>} : memref<9600xf32, #tpu.memory_space<vmem>>, vector<16xf32>,
      %mul3A_634 = arith.mulf %get3A_633, %get3A_605 : vector<16xf32>
      %add3A_635 = arith.addf %add3A_629, %mul3A_634 : vector<16xf32>
      %mul3A_636 = arith.constant 256 : i32
      %mul3A_637 = arith.muli %scan3A_376, %mul3A_636 : i32
      %add3A_638 = arith.constant 64 : i32
      %add3A_639 = arith.addi %mul3A_637, %add3A_638 : i32
      %swap3A_640 = arith.index_cast %add3A_639 : i32 to index
      %swap3A_641 = tpu.vector_load %arg17[%swap3A_640] {strides = array<i32>} : memref<6400xf32, #tpu.memory_space<vmem>>, vector<16xf32>,
      tpu.vector_store %arg17[%swap3A_640], %add3A_620 {strides = array<i32>} : memref<6400xf32, #tpu.memory_space<vmem>>, vector<16xf32>,
      %add3A_642 = arith.constant 128 : i32
      %add3A_643 = arith.addi %add3A_639, %add3A_642 : i32
      %swap3A_644 = arith.index_cast %add3A_643 : i32 to index
      %swap3A_645 = tpu.vector_load %arg17[%swap3A_644] {strides = array<i32>} : memref<6400xf32, #tpu.memory_space<vmem>>, vector<16xf32>,
      tpu.vector_store %arg17[%swap3A_644], %add3A_635 {strides = array<i32>} : memref<6400xf32, #tpu.memory_space<vmem>>, vector<16xf32>,
      %mul3A_646 = arith.constant 128 : i32
      %mul3A_647 = arith.muli %scan3A_376, %mul3A_646 : i32
      %add3A_648 = arith.constant 80 : i32
      %add3A_649 = arith.addi %mul3A_647, %add3A_648 : i32
      %get3A_650 = arith.index_cast %add3A_649 : i32 to index
      %get3A_651 = tpu.vector_load %arg15[%get3A_650] {strides = array<i32>} : memref<9600xf32, #tpu.memory_space<vmem>>, vector<16xf32>,
      %add3A_652 = arith.constant 3200 : i32
      %add3A_653 = arith.addi %add3A_652, %add3A_649 : i32
      %get3A_654 = arith.index_cast %add3A_653 : i32 to index
      %get3A_655 = tpu.vector_load %arg15[%get3A_654] {strides = array<i32>} : memref<9600xf32, #tpu.memory_space<vmem>>, vector<16xf32>,
      %add3A_656 = arith.constant 6400 : i32
      %add3A_657 = arith.addi %add3A_656, %add3A_649 : i32
      %get3A_658 = arith.index_cast %add3A_657 : i32 to index
      %get3A_659 = tpu.vector_load %arg15[%get3A_658] {strides = array<i32>} : memref<9600xf32, #tpu.memory_space<vmem>>, vector<16xf32>,
      %get3A_660 = arith.index_cast %add3A_649 : i32 to index
      %get3A_661 = tpu.vector_load %arg11[%get3A_660] {strides = array<i32>} : memref<9600xf32, #tpu.memory_space<vmem>>, vector<16xf32>,
      %mul3A_662 = arith.mulf %get3A_661, %get3A_651 : vector<16xf32>
      %add3A_663 = arith.constant 3200 : i32
      %add3A_664 = arith.addi %add3A_663, %add3A_649 : i32
      %get3A_665 = arith.index_cast %add3A_664 : i32 to index
      %get3A_666 = tpu.vector_load %arg11[%get3A_665] {strides = array<i32>} : memref<9600xf32, #tpu.memory_space<vmem>>, vector<16xf32>,
      %mul3A_667 = arith.mulf %get3A_666, %get3A_655 : vector<16xf32>
      %add3A_668 = arith.addf %mul3A_662, %mul3A_667 : vector<16xf32>
      %add3A_669 = arith.constant 6400 : i32
      %add3A_670 = arith.addi %add3A_669, %add3A_649 : i32
      %get3A_671 = arith.index_cast %add3A_670 : i32 to index
      %get3A_672 = tpu.vector_load %arg11[%get3A_671] {strides = array<i32>} : memref<9600xf32, #tpu.memory_space<vmem>>, vector<16xf32>,
      %mul3A_673 = arith.mulf %get3A_672, %get3A_659 : vector<16xf32>
      %add3A_674 = arith.addf %add3A_668, %mul3A_673 : vector<16xf32>
      %get3A_675 = arith.index_cast %add3A_649 : i32 to index
      %get3A_676 = tpu.vector_load %arg13[%get3A_675] {strides = array<i32>} : memref<9600xf32, #tpu.memory_space<vmem>>, vector<16xf32>,
      %mul3A_677 = arith.mulf %get3A_676, %get3A_651 : vector<16xf32>
      %add3A_678 = arith.constant 3200 : i32
      %add3A_679 = arith.addi %add3A_678, %add3A_649 : i32
      %get3A_680 = arith.index_cast %add3A_679 : i32 to index
      %get3A_681 = tpu.vector_load %arg13[%get3A_680] {strides = array<i32>} : memref<9600xf32, #tpu.memory_space<vmem>>, vector<16xf32>,
      %mul3A_682 = arith.mulf %get3A_681, %get3A_655 : vector<16xf32>
      %add3A_683 = arith.addf %mul3A_677, %mul3A_682 : vector<16xf32>
      %add3A_684 = arith.constant 6400 : i32
      %add3A_685 = arith.addi %add3A_684, %add3A_649 : i32
      %get3A_686 = arith.index_cast %add3A_685 : i32 to index
      %get3A_687 = tpu.vector_load %arg13[%get3A_686] {strides = array<i32>} : memref<9600xf32, #tpu.memory_space<vmem>>, vector<16xf32>,
      %mul3A_688 = arith.mulf %get3A_687, %get3A_659 : vector<16xf32>
      %add3A_689 = arith.addf %add3A_683, %mul3A_688 : vector<16xf32>
      %mul3A_690 = arith.constant 256 : i32
      %mul3A_691 = arith.muli %scan3A_376, %mul3A_690 : i32
      %add3A_692 = arith.constant 80 : i32
      %add3A_693 = arith.addi %mul3A_691, %add3A_692 : i32
      %swap3A_694 = arith.index_cast %add3A_693 : i32 to index
      %swap3A_695 = tpu.vector_load %arg17[%swap3A_694] {strides = array<i32>} : memref<6400xf32, #tpu.memory_space<vmem>>, vector<16xf32>,
      tpu.vector_store %arg17[%swap3A_694], %add3A_674 {strides = array<i32>} : memref<6400xf32, #tpu.memory_space<vmem>>, vector<16xf32>,
      %add3A_696 = arith.constant 128 : i32
      %add3A_697 = arith.addi %add3A_693, %add3A_696 : i32
      %swap3A_698 = arith.index_cast %add3A_697 : i32 to index
      %swap3A_699 = tpu.vector_load %arg17[%swap3A_698] {strides = array<i32>} : memref<6400xf32, #tpu.memory_space<vmem>>, vector<16xf32>,
      tpu.vector_store %arg17[%swap3A_698], %add3A_689 {strides = array<i32>} : memref<6400xf32, #tpu.memory_space<vmem>>, vector<16xf32>,
      %mul3A_700 = arith.constant 128 : i32
      %mul3A_701 = arith.muli %scan3A_376, %mul3A_700 : i32
      %add3A_702 = arith.constant 96 : i32
      %add3A_703 = arith.addi %mul3A_701, %add3A_702 : i32
      %get3A_704 = arith.index_cast %add3A_703 : i32 to index
      %get3A_705 = tpu.vector_load %arg15[%get3A_704] {strides = array<i32>} : memref<9600xf32, #tpu.memory_space<vmem>>, vector<16xf32>,
      %add3A_706 = arith.constant 3200 : i32
      %add3A_707 = arith.addi %add3A_706, %add3A_703 : i32
      %get3A_708 = arith.index_cast %add3A_707 : i32 to index
      %get3A_709 = tpu.vector_load %arg15[%get3A_708] {strides = array<i32>} : memref<9600xf32, #tpu.memory_space<vmem>>, vector<16xf32>,
      %add3A_710 = arith.constant 6400 : i32
      %add3A_711 = arith.addi %add3A_710, %add3A_703 : i32
      %get3A_712 = arith.index_cast %add3A_711 : i32 to index
      %get3A_713 = tpu.vector_load %arg15[%get3A_712] {strides = array<i32>} : memref<9600xf32, #tpu.memory_space<vmem>>, vector<16xf32>,
      %get3A_714 = arith.index_cast %add3A_703 : i32 to index
      %get3A_715 = tpu.vector_load %arg11[%get3A_714] {strides = array<i32>} : memref<9600xf32, #tpu.memory_space<vmem>>, vector<16xf32>,
      %mul3A_716 = arith.mulf %get3A_715, %get3A_705 : vector<16xf32>
      %add3A_717 = arith.constant 3200 : i32
      %add3A_718 = arith.addi %add3A_717, %add3A_703 : i32
      %get3A_719 = arith.index_cast %add3A_718 : i32 to index
      %get3A_720 = tpu.vector_load %arg11[%get3A_719] {strides = array<i32>} : memref<9600xf32, #tpu.memory_space<vmem>>, vector<16xf32>,
      %mul3A_721 = arith.mulf %get3A_720, %get3A_709 : vector<16xf32>
      %add3A_722 = arith.addf %mul3A_716, %mul3A_721 : vector<16xf32>
      %add3A_723 = arith.constant 6400 : i32
      %add3A_724 = arith.addi %add3A_723, %add3A_703 : i32
      %get3A_725 = arith.index_cast %add3A_724 : i32 to index
      %get3A_726 = tpu.vector_load %arg11[%get3A_725] {strides = array<i32>} : memref<9600xf32, #tpu.memory_space<vmem>>, vector<16xf32>,
      %mul3A_727 = arith.mulf %get3A_726, %get3A_713 : vector<16xf32>
      %add3A_728 = arith.addf %add3A_722, %mul3A_727 : vector<16xf32>
      %get3A_729 = arith.index_cast %add3A_703 : i32 to index
      %get3A_730 = tpu.vector_load %arg13[%get3A_729] {strides = array<i32>} : memref<9600xf32, #tpu.memory_space<vmem>>, vector<16xf32>,
      %mul3A_731 = arith.mulf %get3A_730, %get3A_705 : vector<16xf32>
      %add3A_732 = arith.constant 3200 : i32
      %add3A_733 = arith.addi %add3A_732, %add3A_703 : i32
      %get3A_734 = arith.index_cast %add3A_733 : i32 to index
      %get3A_735 = tpu.vector_load %arg13[%get3A_734] {strides = array<i32>} : memref<9600xf32, #tpu.memory_space<vmem>>, vector<16xf32>,
      %mul3A_736 = arith.mulf %get3A_735, %get3A_709 : vector<16xf32>
      %add3A_737 = arith.addf %mul3A_731, %mul3A_736 : vector<16xf32>
      %add3A_738 = arith.constant 6400 : i32
      %add3A_739 = arith.addi %add3A_738, %add3A_703 : i32
      %get3A_740 = arith.index_cast %add3A_739 : i32 to index
      %get3A_741 = tpu.vector_load %arg13[%get3A_740] {strides = array<i32>} : memref<9600xf32, #tpu.memory_space<vmem>>, vector<16xf32>,
      %mul3A_742 = arith.mulf %get3A_741, %get3A_713 : vector<16xf32>
      %add3A_743 = arith.addf %add3A_737, %mul3A_742 : vector<16xf32>
      %mul3A_744 = arith.constant 256 : i32
      %mul3A_745 = arith.muli %scan3A_376, %mul3A_744 : i32
      %add3A_746 = arith.constant 96 : i32
      %add3A_747 = arith.addi %mul3A_745, %add3A_746 : i32
      %swap3A_748 = arith.index_cast %add3A_747 : i32 to index
      %swap3A_749 = tpu.vector_load %arg17[%swap3A_748] {strides = array<i32>} : memref<6400xf32, #tpu.memory_space<vmem>>, vector<16xf32>,
      tpu.vector_store %arg17[%swap3A_748], %add3A_728 {strides = array<i32>} : memref<6400xf32, #tpu.memory_space<vmem>>, vector<16xf32>,
      %add3A_750 = arith.constant 128 : i32
      %add3A_751 = arith.addi %add3A_747, %add3A_750 : i32
      %swap3A_752 = arith.index_cast %add3A_751 : i32 to index
      %swap3A_753 = tpu.vector_load %arg17[%swap3A_752] {strides = array<i32>} : memref<6400xf32, #tpu.memory_space<vmem>>, vector<16xf32>,
      tpu.vector_store %arg17[%swap3A_752], %add3A_743 {strides = array<i32>} : memref<6400xf32, #tpu.memory_space<vmem>>, vector<16xf32>,
      %mul3A_754 = arith.constant 128 : i32
      %mul3A_755 = arith.muli %scan3A_376, %mul3A_754 : i32
      %add3A_756 = arith.constant 112 : i32
      %add3A_757 = arith.addi %mul3A_755, %add3A_756 : i32
      %get3A_758 = arith.index_cast %add3A_757 : i32 to index
      %get3A_759 = tpu.vector_load %arg15[%get3A_758] {strides = array<i32>} : memref<9600xf32, #tpu.memory_space<vmem>>, vector<16xf32>,
      %add3A_760 = arith.constant 3200 : i32
      %add3A_761 = arith.addi %add3A_760, %add3A_757 : i32
      %get3A_762 = arith.index_cast %add3A_761 : i32 to index
      %get3A_763 = tpu.vector_load %arg15[%get3A_762] {strides = array<i32>} : memref<9600xf32, #tpu.memory_space<vmem>>, vector<16xf32>,
      %add3A_764 = arith.constant 6400 : i32
      %add3A_765 = arith.addi %add3A_764, %add3A_757 : i32
      %get3A_766 = arith.index_cast %add3A_765 : i32 to index
      %get3A_767 = tpu.vector_load %arg15[%get3A_766] {strides = array<i32>} : memref<9600xf32, #tpu.memory_space<vmem>>, vector<16xf32>,
      %get3A_768 = arith.index_cast %add3A_757 : i32 to index
      %get3A_769 = tpu.vector_load %arg11[%get3A_768] {strides = array<i32>} : memref<9600xf32, #tpu.memory_space<vmem>>, vector<16xf32>,
      %mul3A_770 = arith.mulf %get3A_769, %get3A_759 : vector<16xf32>
      %add3A_771 = arith.constant 3200 : i32
      %add3A_772 = arith.addi %add3A_771, %add3A_757 : i32
      %get3A_773 = arith.index_cast %add3A_772 : i32 to index
      %get3A_774 = tpu.vector_load %arg11[%get3A_773] {strides = array<i32>} : memref<9600xf32, #tpu.memory_space<vmem>>, vector<16xf32>,
      %mul3A_775 = arith.mulf %get3A_774, %get3A_763 : vector<16xf32>
      %add3A_776 = arith.addf %mul3A_770, %mul3A_775 : vector<16xf32>
      %add3A_777 = arith.constant 6400 : i32
      %add3A_778 = arith.addi %add3A_777, %add3A_757 : i32
      %get3A_779 = arith.index_cast %add3A_778 : i32 to index
      %get3A_780 = tpu.vector_load %arg11[%get3A_779] {strides = array<i32>} : memref<9600xf32, #tpu.memory_space<vmem>>, vector<16xf32>,
      %mul3A_781 = arith.mulf %get3A_780, %get3A_767 : vector<16xf32>
      %add3A_782 = arith.addf %add3A_776, %mul3A_781 : vector<16xf32>
      %get3A_783 = arith.index_cast %add3A_757 : i32 to index
      %get3A_784 = tpu.vector_load %arg13[%get3A_783] {strides = array<i32>} : memref<9600xf32, #tpu.memory_space<vmem>>, vector<16xf32>,
      %mul3A_785 = arith.mulf %get3A_784, %get3A_759 : vector<16xf32>
      %add3A_786 = arith.constant 3200 : i32
      %add3A_787 = arith.addi %add3A_786, %add3A_757 : i32
      %get3A_788 = arith.index_cast %add3A_787 : i32 to index
      %get3A_789 = tpu.vector_load %arg13[%get3A_788] {strides = array<i32>} : memref<9600xf32, #tpu.memory_space<vmem>>, vector<16xf32>,
      %mul3A_790 = arith.mulf %get3A_789, %get3A_763 : vector<16xf32>
      %add3A_791 = arith.addf %mul3A_785, %mul3A_790 : vector<16xf32>
      %add3A_792 = arith.constant 6400 : i32
      %add3A_793 = arith.addi %add3A_792, %add3A_757 : i32
      %get3A_794 = arith.index_cast %add3A_793 : i32 to index
      %get3A_795 = tpu.vector_load %arg13[%get3A_794] {strides = array<i32>} : memref<9600xf32, #tpu.memory_space<vmem>>, vector<16xf32>,
      %mul3A_796 = arith.mulf %get3A_795, %get3A_767 : vector<16xf32>
      %add3A_797 = arith.addf %add3A_791, %mul3A_796 : vector<16xf32>
      %mul3A_798 = arith.constant 256 : i32
      %mul3A_799 = arith.muli %scan3A_376, %mul3A_798 : i32
      %add3A_800 = arith.constant 112 : i32
      %add3A_801 = arith.addi %mul3A_799, %add3A_800 : i32
      %swap3A_802 = arith.index_cast %add3A_801 : i32 to index
      %swap3A_803 = tpu.vector_load %arg17[%swap3A_802] {strides = array<i32>} : memref<6400xf32, #tpu.memory_space<vmem>>, vector<16xf32>,
      tpu.vector_store %arg17[%swap3A_802], %add3A_782 {strides = array<i32>} : memref<6400xf32, #tpu.memory_space<vmem>>, vector<16xf32>,
      %add3A_804 = arith.constant 128 : i32
      %add3A_805 = arith.addi %add3A_801, %add3A_804 : i32
      %swap3A_806 = arith.index_cast %add3A_805 : i32 to index
      %swap3A_807 = tpu.vector_load %arg17[%swap3A_806] {strides = array<i32>} : memref<6400xf32, #tpu.memory_space<vmem>>, vector<16xf32>,
      tpu.vector_store %arg17[%swap3A_806], %add3A_797 {strides = array<i32>} : memref<6400xf32, #tpu.memory_space<vmem>>, vector<16xf32>,
      %scan3A_808 = arith.constant 0 : i32
      scf.yield %scan3A_808 : i32
    }
    %scan3A_365 = arith.constant 25 : i32
    %add3A_366 = arith.constant 3200 : i32
    %add3A_367 = arith.addi %min3A_3, %add3A_366 : i32
    %mul3A_368 = arith.constant 2 : i32
    %mul3A_369 = arith.muli %mul3A_368, %add3A_367 : i32
    %dma_start3A_370 = tpu.memref_slice %arg6[%mul3A_369] : memref<399616xf32, #tpu.memory_space<hbm>> -> memref<6400xf32, #tpu.memory_space<hbm>>
    %dma_start3A_371 = tpu.memref_slice %arg6[%mul3A_369] : memref<399616xf32, #tpu.memory_space<hbm>> -> memref<6400xf32, #tpu.memory_space<hbm>>
    tpu.enqueue_dma source(%arg17 : memref<6400xf32, #tpu.memory_space<vmem>>) target(%dma_start3A_371 : memref<6400xf32, #tpu.memory_space<hbm>>) target_semaphore(%arg24 : memref<!tpu.dma_semaphore, #tpu.memory_space<semaphore_mem>>)
    %dma_wait3A_372 = tpu.memref_slice %arg6[%mul3A_338] : memref<399616xf32, #tpu.memory_space<hbm>> -> memref<6400xf32, #tpu.memory_space<hbm>>
    %dma_wait3A_373 = tpu.memref_slice %arg6[%mul3A_338] : memref<399616xf32, #tpu.memory_space<hbm>> -> memref<6400xf32, #tpu.memory_space<hbm>>
    tpu.wait_dma2 semaphore(%arg23 : memref<!tpu.dma_semaphore, #tpu.memory_space<semaphore_mem>>) src(%arg16 : memref<6400xf32, #tpu.memory_space<vmem>>) dst(%dma_wait3A_373 : memref<6400xf32, #tpu.memory_space<hbm>>)
    %dma_wait3A_374 = tpu.memref_slice %arg6[%mul3A_369] : memref<399616xf32, #tpu.memory_space<hbm>> -> memref<6400xf32, #tpu.memory_space<hbm>>
    %dma_wait3A_375 = tpu.memref_slice %arg6[%mul3A_369] : memref<399616xf32, #tpu.memory_space<hbm>> -> memref<6400xf32, #tpu.memory_space<hbm>>
    tpu.wait_dma2 semaphore(%arg24 : memref<!tpu.dma_semaphore, #tpu.memory_space<semaphore_mem>>) src(%arg17 : memref<6400xf32, #tpu.memory_space<vmem>>) dst(%dma_wait3A_375 : memref<6400xf32, #tpu.memory_space<hbm>>)
    return
  }
}

</mosaic_0001>

<sc_bundles>
// kernel: kernel.3.cloned.1.call-start
scs
__scs_entry_jumppad:
0x0: {  	(pc) =	sbr.rel $0x88, $3  }
0x1: {  	(tag) =	ssettag $0x0;
	lr =	simm.s32 $0x1  }
0x2: {  	[smem:$0x3F9D] =	sst lr;
	_ =	strace $0xD0000000  }
0x3: {  	_ = 	snop  }
0x4: {  	_ = 	snop  }
0x5: {  	_ = 	snop  }
0x6: {  	_ = 	snop  }
0x7: {  	_ = 	snop  }
__scs_overlays_trampoline_lowered:
0x8: {  	[smem:$0x3FAC] =	sst s0  }
0x9: {  	[smem:$0x3FAD] =	sst s1  }
0xa: {  	[smem:$0x3FAE] =	sst s2  }
0xb: {  	[smem:$0x3FAF] =	sst s3  }
0xc: {  	[smem:$0x3FB0] =	sst s4  }
0xd: {  	[smem:$0x3FB1] =	sst s5  }
0xe: {  	[smem:$0x3FB2] =	sst s6  }
0xf: {  	[smem:$0x3FB3] =	sst s7  }
0x10: {  	[smem:$0x3FB4] =	sst s8  }
0x11: {  	[smem:$0x3FB5] =	sst s9;
	s0 =	simm.s32 @!p0 $0x0  }
0x12: {  	s1 =	sld [smem:$0x3F9B];
	s0 =	simm.s32 @p0 $0x1  }
0x13: {  	[smem:$0x3FB6] =	sst s0;
	s0 =	simm.s32 @!p1 $0x0  }
0x14: {  	s2 =	sld [smem:$0x3F9A];
	s0 =	simm.s32 @p1 $0x1  }
0x15: {  	[smem:$0x3FB7] =	sst s0;
	s0 =	simm.s32 @!p2 $0x0  }
0x16: {  	s3 =	sld [smem:$0x3FDB];
	s0 =	simm.s32 @p2 $0x1  }
0x17: {  	s4 =	simm.s32 $0x1BF5;
	[smem:$0x3FB9] =	sst s0  }
0x18: {  	s0 =	sld [smem:$0x3F9C];
	_ =	swait.ge [sflag:s4], $0x0  }
0x19: {  	s7 =	sld [smem:$0x3F9D]  }
0x1a: {  	s8 =	sadd.s32 $0xFFFFE003, lr  }
0x1b: {  	s9 =	sadd.s32 $0xFFFFFEF7, lr;
	s5 =	simm.s32 $0xFFFFFFFF;
	p2 =	slt.u32 s8, $0xFFFFF086  }
0x1c: {  	p1 =	slt.u32 s9, $0xF7A;
	s5 =	simm.s32 @!p2 $0x0  }
0x1d: {  	s5 =	simm.s32 @p1 $0x1;
	p0 =	seq.s32 s7, s2  }
0x1e: {  	s7 =	smul.u32 @!p0 $0xF7A, s2;
	p2 =	seq.s32 @!p0 s5, $0x0  }
0x1f: {  	s9 =	smul.u32 $0xF7A, s1;
	s8 =	simm.s32 @!p0 $0x1BF5;
	p2 =	por !p2, p0  }
0x20: {  	[sflag:s8] =	ssyncset.s32 @!p0 $0xFFFFF086;
	s6 =	sadd.s32 @!p0 s3, s7;
	s7 =	simm.s32 @!p0 $0x108  }
0x21: {  	s3 =	sadd.s32 s3, s9;
	s6 =	sadd.s32 @!p0 $0x88, s6;
	s7 =	simm.s32 @p2 $0x1082  }
0x22: {  	[simem:s7], [sflag:s8] =	dma.local @!p0 [hbm:s6], $0xF7A  }
0x23: {  	s9 =	sor.u32 $0xD0000000, s2;
	s6 =	simm.s32 $0x108;
	_ =	swait.ge @!p0 [sflag:s8], $0x0  }
0x24: {  	s3 =	sadd.s32 $0x88, s3;
	s6 =	simm.s32 @!p1 $0x1082;
	[sflag:s4] =	ssyncset.s32 $0xFFFFF086  }
0x25: {  	[simem:s6], [sflag:s4] =	dma.local [hbm:s3], $0xF7A  }
0x26: {  	[smem:$0x3F9D] =	sst s1;
	(tag) =	ssettag s2;
	_ =	strace s9  }
0x27: {  	s1 =	sld [smem:$0x3FAD]  }
0x28: {  	s2 =	sld [smem:$0x3FAE]  }
0x29: {  	s4 =	sld [smem:$0x3FB0]  }
0x2a: {  	p0 =	seq.s32 s5, $0x0;
	s5 =	sld [smem:$0x3FB1]  }
0x2b: {  	s6 =	sld [smem:$0x3FB2]  }
0x2c: {  	s7 =	sld [smem:$0x3FB3]  }
0x2d: {  	s3 =	simm.s32 $0x108;
	s8 =	sld [smem:$0x3FB4]  }
0x2e: {  	s3 =	simm.s32 @!p0 $0x1082;
	s9 =	sld [smem:$0x3FB5]  }
0x2f: {  	lr =	sadd.s32 s0, s3;
	s0 =	sld [smem:$0x3FAC]  }
0x30: {  	s3 =	sld [smem:$0x3FAF]  }
0x31: {  	[smem:$0x3FB8] =	sst s10  }
0x32: {  	s10 =	sld [smem:$0x3FB6];
	_ =	sdelay $0x3  }
0x33: {  	p0 =	seq.s32 s10, $0x1;
	s10 =	sld [smem:$0x3FB8];
	_ =	sdelay $0x3  }
0x34: {  	[smem:$0x3FB8] =	sst s10  }
0x35: {  	s10 =	sld [smem:$0x3FB7];
	_ =	sdelay $0x3  }
0x36: {  	p1 =	seq.s32 s10, $0x1;
	s10 =	sld [smem:$0x3FB8];
	_ =	sdelay $0x3  }
0x37: {  	[smem:$0x3FB8] =	sst s10  }
0x38: {  	s10 =	sld [smem:$0x3FB9]  }
0x39: {  	_ = 	snop;
	(pc) =	sbr.ind lr, $3  }
0x3a: {  	_ = 	snop  }
0x3b: {  	_ = 	snop  }
0x3c: {  	p2 =	seq.s32 s10, $0x1;
	s10 =	sld [smem:$0x3FB8]  }
0x3d: {  	_ =	shalt  }
0x3e: {  	_ =	shalt  }
0x3f: {  	_ =	shalt  }
0x40: {  	_ =	shalt  }
0x41: {  	_ =	shalt  }
0x42: {  	_ =	shalt  }
0x43: {  	_ =	shalt  }
0x44: {  	_ =	shalt  }
0x45: {  	_ =	shalt  }
0x46: {  	_ =	shalt  }
0x47: {  	_ =	shalt  }
0x48: {  	_ =	shalt  }
0x49: {  	_ =	shalt  }
0x4a: {  	_ =	shalt  }
0x4b: {  	_ =	shalt  }
0x4c: {  	_ =	shalt  }
0x4d: {  	_ =	shalt  }
0x4e: {  	_ =	shalt  }
0x4f: {  	_ =	shalt  }
0x50: {  	_ =	shalt  }
0x51: {  	_ =	shalt  }
0x52: {  	_ =	shalt  }
0x53: {  	_ =	shalt  }
0x54: {  	_ =	shalt  }
0x55: {  	_ =	shalt  }
0x56: {  	_ =	shalt  }
0x57: {  	_ =	shalt  }
0x58: {  	_ =	shalt  }
0x59: {  	_ =	shalt  }
0x5a: {  	_ =	shalt  }
0x5b: {  	_ =	shalt  }
0x5c: {  	_ =	shalt  }
0x5d: {  	_ =	shalt  }
0x5e: {  	_ =	shalt  }
0x5f: {  	_ =	shalt  }
0x60: {  	_ =	shalt  }
0x61: {  	_ =	shalt  }
0x62: {  	_ =	shalt  }
0x63: {  	_ =	shalt  }
0x64: {  	_ =	shalt  }
0x65: {  	_ =	shalt  }
0x66: {  	_ =	shalt  }
0x67: {  	_ =	shalt  }
0x68: {  	_ =	shalt  }
0x69: {  	_ =	shalt  }
0x6a: {  	_ =	shalt  }
0x6b: {  	_ =	shalt  }
0x6c: {  	_ =	shalt  }
0x6d: {  	_ =	shalt  }
0x6e: {  	_ =	shalt  }
0x6f: {  	_ =	shalt  }
0x70: {  	_ =	shalt  }
0x71: {  	_ =	shalt  }
0x72: {  	_ =	shalt  }
0x73: {  	_ =	shalt  }
0x74: {  	_ =	shalt  }
0x75: {  	_ =	shalt  }
0x76: {  	_ =	shalt  }
0x77: {  	_ =	shalt  }
0x78: {  	_ =	shalt  }
0x79: {  	_ =	shalt  }
0x7a: {  	_ =	shalt  }
0x7b: {  	_ =	shalt  }
0x7c: {  	_ =	shalt  }
0x7d: {  	_ =	shalt  }
0x7e: {  	_ =	shalt  }
0x7f: {  	_ =	shalt  }
0x80: {  	_ =	shalt  }
0x81: {  	_ =	shalt  }
0x82: {  	_ =	shalt  }
0x83: {  	_ =	shalt  }
0x84: {  	_ =	shalt  }
0x85: {  	_ =	shalt  }
0x86: {  	_ =	shalt  }
0x87: {  	_ =	shalt  }
.Lfunc_end0:
.L_simem_size_0:
called_computation_lowered:
.L_overlay_start_0:
0x88: {  	s2 =	sld [smem:$0x3FD9]  }
0x89: {  	s3 =	sld [smem:$0x3FFE];
	_ =	sdelay $0x1  }
0x8a: {  	s1 =	srdreg.scid  }
0x8b: {  	s0 =	sand.u32 $0x1, s1  }
0x8c: {  	s17 =	sshll.u32 s0, $0xA;
	s2 =	sadd.s32 s3, s2  }
0x8d: {  	s2 =	sadd.s32 s2, s17  }
0x8e: {  	[smem:$0x3FC4] =	sst s2  }
0x8f: {  	_ = 	snop  }
0x90: {  	s2 =	sld [smem:$0x3FC9];
	(tm) =	ssettm $0x1  }
0x91: {  	s18 =	sld [smem:$0x3FFB];
	_ =	sdelay $0x3  }
0x92: {  	_ =	strace s18  }
0x93: {  	s3 =	sld [smem:$0x3FFC];
	_ =	sdelay $0x3  }
0x94: {  	_ =	strace s3  }
0x95: {  	s3 =	sld [smem:$0x3FFD];
	_ =	sdelay $0x3  }
0x96: {  	_ =	strace s3  }
0x97: {  	_ =	strace $0x8FFFFFFF  }
0x98: {  	s19 =	sld [smem:$0x3FDB];
	_ =	sdelay $0x1  }
0x99: {  	s4 =	simm.s32 $_scs_section_size  }
0x9a: {  	s5 =	simm.s32 $_size__tile_overlayer_lowered;
	s6 =	simm.s32 $_tile_overlayer_lowered  }
0x9b: {  	s22 =	simm.s32 $0x1BFF;
	s21 =	sshll.u32 s6, $0x1;
	s3 =	sadd.s32 s4, s19  }
0x9c: {  	s7 =	simm.s32 $0x0;
	s20 =	sshll.u32 s5, $0x1;
	s5 =	sadd.s32 s21, s3  }
0x9d: {  	[timem:s7], [sflag:s22] =	dma.local [hbm:s5], s20  }
0x9e: {  	_ =	swait.ge [sflag:s22], s20  }
0x9f: {  	s4 =	ssub.s32 $0x0, s20;
	[sflag:s22] =	ssyncset.done $0x0  }
0xa0: {  	[sflag:s22] =	ssyncadd.s32 s4;
	_ =	sdelay $0x1  }
0xa1: {  	s23 =	simm.s32 $0x1B8B  }
0xa2: {  	_ =	swait.ge [sflag:s23], $0x1  }
0xa3: {  	[sflag:s23] =	ssyncset.done $0x0  }
0xa4: {  	s25 =	simm.s32 $0x1B8E;
	s24 =	sld [smem:$0x3FFE];
	[sflag:s23] =	ssyncadd.s32 $0xFFFFFFFF  }
0xa5: {  	s26 =	simm.s32 $execute0_lowered;
	[smem:$0x3FD2] =	sst s25  }
0xa6: {  	s5 =	sshll.u32 s26, $0x1;
	_ =	strace $0x80000046;
	[dreg:$0x1] =	wrdreg $0xFFFFFFFF  }
0xa7: {  	s28 =	simm.s32 $_size_execute0_lowered;
	s3 =	sadd.s32 s3, s5;
	[dreg:$0x0] =	wrdreg $0x0  }
0xa8: {  	s5 =	sshll.u32 s28, $0x1;
	[dreg:$0x2] =	wrdreg s3  }
0xa9: {  	[dreg:$0x3] =	wrdreg s5  }
0xaa: {  	[dreg:$0x4] =	wrdreg $0xC0  }
0xab: {  	_ =	task [dreg:s7], $0x5FFFF  }
0xac: {  	[dreg:$0x1] =	wrdreg $0xFFFFFFFF  }
0xad: {  	[dreg:$0x0] =	wrdreg $0x60  }
0xae: {  	[dreg:$0x2] =	wrdreg s2  }
0xaf: {  	[dreg:$0x3] =	wrdreg s24  }
0xb0: {  	[dreg:$0x4] =	wrdreg $0x0  }
0xb1: {  	[dreg:$0x5] =	wrdreg $0x9  }
0xb2: {  	_ =	task.clear_ibuf [dreg:s7], $0x6FFFF;
	_ =	strace $0x90000046  }
0xb3: {  	s29 =	simm.s32 $0x9;
	_ =	strace $0x80000048  }
0xb4: {  	_ =	swait.ge [sflag:s29], $0x1  }
0xb5: {  	[sflag:s29] =	ssyncadd.s32 $0xFFFFFFFF  }
0xb6: {  	_ =	strace $0x90000048  }
0xb7: {  	_ =	sfence  }
0xb8: {  	s30 =	sld [smem:$0x0];
	_ =	sdelay $0x2  }
0xb9: {  	s31 =	sshll.u32 s1, $0xD;
	s1 =	sshrl.u32 s1, $0x2  }
0xba: {  	s3 =	sand.u32 $0x4000, s31;
	s1 =	sadd.s32 s1, s30  }
0xbb: {  	s0 =	sor.u32 s3, s0;
	s1 =	sshll.u32 s1, $0x11  }
0xbc: {  	s0 =	sor.u32 s1, s0  }
0xbd: {  	s0 =	sadd.s32 $0x8F2B, s0  }
0xbe: {  	[sflag:s0] =	ssyncadd.remote.s32 $0x1  }
0xbf: {  	_ =	sfence.sel $0xFFFF  }
0xc0: {  	[dreg:$0x0] =	wrdreg $0xFFFFFFFF;
	(pc) =	sbr.abs _section_cstart, $3  }
0xc1: {  	[dreg:$0x1] =	wrdreg $0xFFFFFFFF  }
0xc2: {  	_ =	task.clear_ibuf [dreg:s7], $0x2FFFF;
	_ =	strace $0x9FFFFFFF  }
0xc3: {  	(tm) =	ssettm $0x7FFFFFFF  }
tec
execute0_lowered:
.L_overlay_start_1:
0x0: {  	(tag) =	ssettag $0x1  }
0x1: {  	s0 =	srdreg.scid  }
0x2: {  	s11 =	stileid.u32;
	s2 =	rddreg [dreg:$0x1]  }
0x3: {  	s28 =	simm.s32 $0x1890;
	s0 =	sand.u32 $0x1, s0;
	s1 =	sshll.u32 s11, $0x1  }
0x4: {  	s29 =	simm.s32 $0x2510;
	s30 =	simm.s32 $0x3190;
	s1 =	sor.u32 s0, s1  }
0x5: {  	s31 =	simm.s32 $0x3E10;
	s4 =	sadd.s32 $0x25400, s2;
	s3 =	smul.u32 $0x1880, s1  }
0x6: {  	s5 =	sadd.s32 $0x800, s2;
	s6 =	sadd.s32 $0x12E00, s2;
	s0 =	ssub.s32 $0x2, s0  }
0x7: {  	s2 =	sadd.s32 $0x37A00, s2;
	s7 =	sshrl.u32 s0, $0x1;
	s3 =	smin.u32 s3, $0x2F380  }
0x8: {  	p0 =	sne.s32 s1, $0x1F;
	s1 =	simm.s32 $0x17690;
	s8 =	sshrl.u32 s3, $0x3  }
0x9: {  	s0 =	ssub.s32 s0, s7;
	s13 =	sadd.s32 $0xC80, s3;
	s10 =	sadd.s32 s4, s8  }
0xa: {  	s3 =	sshrl.u32 s3, $0x2;
	s24 =	sadd.s32 s5, s8;
	[dreg:$0x4] =	wrdreg s10  }
0xb: {  	s21 =	sadd.s32 $0x6184, s8;
	s12 =	sadd.s32 s6, s8;
	[dreg:$0x7] =	wrdreg s24  }
0xc: {  	s9 =	sadd.s32 $0xC308, s8;
	s17 =	sshrl.u32 s13, $0x3;
	[dreg:$0xa] =	wrdreg s12  }
0xd: {  	s18 =	sadd.s32 $0x6314, s8;
	s22 =	sadd.s32 s4, s21;
	s24 =	rddreg [dreg:$0x0]  }
0xe: {  	s8 =	sadd.s32 $0xC498, s8;
	s23 =	sadd.s32 s4, s9;
	[dreg:$0x5] =	wrdreg s22  }
0xf: {  	s25 =	sadd.s32 s5, s21;
	s26 =	sadd.s32 s5, s9;
	[dreg:$0x6] =	wrdreg s23  }
0x10: {  	s7 =	sadd.s32 s6, s21;
	s9 =	sadd.s32 s6, s9;
	[dreg:$0x8] =	wrdreg s25  }
0x11: {  	s12 =	sadd.s32 s4, s17;
	s19 =	sadd.s32 s4, s18;
	[dreg:$0x9] =	wrdreg s26  }
0x12: {  	s4 =	sadd.s32 s4, s8;
	s20 =	sadd.s32 s5, s17;
	[dreg:$0xb] =	wrdreg s7  }
0x13: {  	s21 =	smul.u32 $0x1890, s11;
	s14 =	sadd.s32 s5, s18;
	[dreg:$0xc] =	wrdreg s9  }
0x14: {  	s15 =	sadd.s32 s5, s8;
	s16 =	sadd.s32 s6, s17;
	[dreg:$0xd] =	wrdreg s12  }
0x15: {  	s17 =	sadd.s32 s6, s18;
	s18 =	sadd.s32 s6, s8;
	[dreg:$0xe] =	wrdreg s19  }
0x16: {  	s5 =	simm.s32 $0x2;
	s6 =	simm.s32 $0x3;
	[dreg:$0xf] =	wrdreg s4  }
0x17: {  	s8 =	simm.s32 $0x5;
	s10 =	simm.s32 $0x0;
	[dreg:$0x10] =	wrdreg s20  }
0x18: {  	s20 =	simm.s32 $0x0;
	s22 =	sadd.s32 s2, s3;
	s26 =	sshrl.u32 s13, $0x2  }
0x19: {  	s23 =	rddreg [dreg:$0x2];
	s3 =	simm.s32 $0x1;
	s4 =	simm.s32 $0xC80  }
0x1a: {  	s7 =	simm.s32 $0x4;
	s9 =	simm.s32 $0x6;
	s25 =	sshrl.u32 s21, $0x3  }
0x1b: {  	[smem:$0x7FF] =	sst s20;
	s19 =	sadd.s32 s24, s25;
	s24 =	sadd.s32 s2, s26  }
0x1c: {  	_ =	strace $0x80000047;
	s25 =	sadd.s32 s21, s23;
	s26 =	smax.u32 s0, $0x1  }
0x1d: {  	s21 =	simm.s32 $0x4A90;
	s0 =	simm.s32 $0x5710;
	s2 =	simm.s32 $0x7  }
.LBB2_1:
0x1e: {  	s11 =	rddreg [dreg:$0x4]  }
0x1f: {  	[tilespmem:s28], [sflag:$0x1] =	stream.linear.gather [hbm4b:s11+s20], $0xC80, $0x38;
	[tilespmem:$0x18F90] =	vst v63  }
0x20: {  	s13 =	rddreg [dreg:$0x5]  }
0x21: {  	[tilespmem:s29], [sflag:$0x1] =	stream.linear.gather [hbm4b:s13+s20], $0xC80, $0x38;
	[tilespmem:$0x18F90] =	vst v63  }
0x22: {  	s12 =	rddreg [dreg:$0x6]  }
0x23: {  	[tilespmem:s30], [sflag:$0x1] =	stream.linear.gather [hbm4b:s12+s20], $0xC80, $0x38;
	[tilespmem:$0x18F90] =	vst v63  }
0x24: {  	s13 =	rddreg [dreg:$0x7];
	s12 =	simm.s32 $0x6390  }
0x25: {  	[tilespmem:s12], [sflag:$0x1] =	stream.linear.gather [hbm4b:s13+s20], $0xC80, $0x38;
	[tilespmem:$0x18F90] =	vst v63  }
0x26: {  	s12 =	rddreg [dreg:$0x8];
	s13 =	simm.s32 $0x7010  }
0x27: {  	[tilespmem:s13], [sflag:$0x1] =	stream.linear.gather [hbm4b:s12+s20], $0xC80, $0x38;
	[tilespmem:$0x18F90] =	vst v63  }
0x28: {  	s12 =	rddreg [dreg:$0x9];
	s13 =	simm.s32 $0x7C90  }
0x29: {  	[tilespmem:s13], [sflag:$0x1] =	stream.linear.gather [hbm4b:s12+s20], $0xC80, $0x38;
	[tilespmem:$0x18F90] =	vst v63  }
0x2a: {  	s12 =	rddreg [dreg:$0xa];
	s13 =	simm.s32 $0xAE90  }
0x2b: {  	[tilespmem:s13], [sflag:$0x1] =	stream.linear.gather [hbm4b:s12+s20], $0xC80, $0x38;
	[tilespmem:$0x18F90] =	vst v63  }
0x2c: {  	s12 =	rddreg [dreg:$0xb];
	s13 =	simm.s32 $0xBB10  }
0x2d: {  	[tilespmem:s13], [sflag:$0x1] =	stream.linear.gather [hbm4b:s12+s20], $0xC80, $0x38;
	[tilespmem:$0x18F90] =	vst v63  }
0x2e: {  	s12 =	rddreg [dreg:$0xc];
	s13 =	simm.s32 $0xC790  }
0x2f: {  	[tilespmem:s13], [sflag:$0x1] =	stream.linear.gather [hbm4b:s12+s20], $0xC80, $0x38;
	[tilespmem:$0x18F90] =	vst v63  }
0x30: {  	s13 =	rddreg [dreg:$0xd]  }
0x31: {  	[tilespmem:s31], [sflag:$0x2] =	stream.linear.gather [hbm4b:s13+s20], $0xC80, $0x38;
	[tilespmem:$0x18F90] =	vst v63  }
0x32: {  	s12 =	rddreg [dreg:$0xe]  }
0x33: {  	[tilespmem:s21], [sflag:$0x2] =	stream.linear.gather [hbm4b:s12+s20], $0xC80, $0x38;
	[tilespmem:$0x18F90] =	vst v63  }
0x34: {  	s13 =	rddreg [dreg:$0xf]  }
0x35: {  	[tilespmem:s0], [sflag:$0x2] =	stream.linear.gather [hbm4b:s13+s20], $0xC80, $0x38;
	[tilespmem:$0x18F90] =	vst v63  }
0x36: {  	s12 =	rddreg [dreg:$0x10];
	s13 =	simm.s32 $0x8910  }
0x37: {  	[tilespmem:s13], [sflag:$0x2] =	stream.linear.gather [hbm4b:s12+s20], $0xC80, $0x38;
	[tilespmem:$0x18F90] =	vst v63  }
0x38: {  	s12 =	simm.s32 $0x9590  }
0x39: {  	[tilespmem:s12], [sflag:$0x2] =	stream.linear.gather [hbm4b:s14+s20], $0xC80, $0x38;
	[tilespmem:$0x18F90] =	vst v63  }
0x3a: {  	s13 =	simm.s32 $0xA210  }
0x3b: {  	[tilespmem:s13], [sflag:$0x2] =	stream.linear.gather [hbm4b:s15+s20], $0xC80, $0x38;
	[tilespmem:$0x18F90] =	vst v63  }
0x3c: {  	s12 =	simm.s32 $0xD410  }
0x3d: {  	[tilespmem:s12], [sflag:$0x2] =	stream.linear.gather [hbm4b:s16+s20], $0xC80, $0x38;
	[tilespmem:$0x18F90] =	vst v63  }
0x3e: {  	s13 =	simm.s32 $0xE090  }
0x3f: {  	[tilespmem:s13], [sflag:$0x2] =	stream.linear.gather [hbm4b:s17+s20], $0xC80, $0x38;
	[tilespmem:$0x18F90] =	vst v63  }
0x40: {  	s12 =	simm.s32 $0xED10  }
0x41: {  	[tilespmem:s12], [sflag:$0x2] =	stream.linear.gather [hbm4b:s18+s20], $0xC80, $0x38;
	[tilespmem:$0x18F90] =	vst v63  }
0x42: {  	_ = 	snop  }
0x43: {  	[tilespmem:s1], [sflag:$0x7] =	stream.linear.gather [hbm4b:s19+s20], $0x1890, $0x38;
	[tilespmem:$0x18F90] =	vst v63  }
0x44: {  	_ =	swait.ge [sflag:s2], $0x1890  }
0x45: {  	[sflag:s2] =	ssyncset.done $0x0  }
0x46: {  	[sflag:s2] =	ssyncadd.s32 $0xFFFFE770  }
0x47: {  	[spmem:s25] =	stream.linear.scatter [tilespmem:s1], [sflag:$0x7], $0x1890, $0x38;
	[tilespmem:$0x18F90] =	vst v63  }
0x48: {  	_ =	swait.ge [sflag:s2], $0x1890  }
0x49: {  	[sflag:s2] =	ssyncset.done $0x0  }
0x4a: {  	[sflag:s2] =	ssyncadd.s32 $0xFFFFE770  }
0x4b: {  	[bflag:$0x0] =	sbarrier.arrive $0xFFFF  }
0x4c: {  	_ =	swait.ge [sflag:s3], $0xC80  }
0x4d: {  	[sflag:s3] =	ssyncset.done $0x0  }
0x4e: {  	[sflag:s3] =	ssyncadd.s32 $0xFFFFF380  }
0x4f: {  	_ =	swait.ge [sflag:s3], $0xC80  }
0x50: {  	[sflag:s3] =	ssyncset.done $0x0  }
0x51: {  	[sflag:s3] =	ssyncadd.s32 $0xFFFFF380  }
0x52: {  	_ =	swait.ge [sflag:s3], $0xC80  }
0x53: {  	[sflag:s3] =	ssyncset.done $0x0  }
0x54: {  	[sflag:s3] =	ssyncadd.s32 $0xFFFFF380  }
0x55: {  	_ =	swait.ge [sflag:s3], $0xC80  }
0x56: {  	[sflag:s3] =	ssyncset.done $0x0  }
0x57: {  	[sflag:s3] =	ssyncadd.s32 $0xFFFFF380  }
0x58: {  	_ =	swait.ge [sflag:s3], $0xC80  }
0x59: {  	[sflag:s3] =	ssyncset.done $0x0  }
0x5a: {  	[sflag:s3] =	ssyncadd.s32 $0xFFFFF380  }
0x5b: {  	_ =	swait.ge [sflag:s3], $0xC80  }
0x5c: {  	[sflag:s3] =	ssyncset.done $0x0  }
0x5d: {  	[sflag:s3] =	ssyncadd.s32 $0xFFFFF380  }
0x5e: {  	_ =	swait.ge [sflag:s3], $0xC80  }
0x5f: {  	[sflag:s3] =	ssyncset.done $0x0  }
0x60: {  	[sflag:s3] =	ssyncadd.s32 $0xFFFFF380  }
0x61: {  	_ =	swait.ge [sflag:s3], $0xC80  }
0x62: {  	[sflag:s3] =	ssyncset.done $0x0  }
0x63: {  	[sflag:s3] =	ssyncadd.s32 $0xFFFFF380  }
0x64: {  	_ =	swait.ge [sflag:s3], $0xC80  }
0x65: {  	[sflag:s3] =	ssyncset.done $0x0  }
0x66: {  	s13 =	simm.s32 $0xF990;
	[sflag:s3] =	ssyncadd.s32 $0xFFFFF380  }
0x67: {  	[tilespmem:s13], [sflag:$0x3] =	stream.indirect.gather [spmem:s23], $0x1, s28, s4, $0xb8;
	[tilespmem:$0x18F90] =	vst v63  }
0x68: {  	s12 =	simm.s32 $0x10610  }
0x69: {  	[tilespmem:s12], [sflag:$0x3] =	stream.indirect.gather [spmem:s23], $0x1, s29, s4, $0xb8;
	[tilespmem:$0x18F90] =	vst v63  }
0x6a: {  	s13 =	simm.s32 $0x11290  }
0x6b: {  	[tilespmem:s13], [sflag:$0x3] =	stream.indirect.gather [spmem:s23], $0x1, s30, s4, $0xb8;
	[tilespmem:$0x18F90] =	vst v63  }
0x6c: {  	_ =	swait.ge [sflag:s5], $0xC80  }
0x6d: {  	[sflag:s5] =	ssyncset.done $0x0  }
0x6e: {  	[sflag:s5] =	ssyncadd.s32 $0xFFFFF380  }
0x6f: {  	_ =	swait.ge [sflag:s5], $0xC80  }
0x70: {  	[sflag:s5] =	ssyncset.done $0x0  }
0x71: {  	[sflag:s5] =	ssyncadd.s32 $0xFFFFF380  }
0x72: {  	_ =	swait.ge [sflag:s5], $0xC80  }
0x73: {  	[sflag:s5] =	ssyncset.done $0x0  }
0x74: {  	[sflag:s5] =	ssyncadd.s32 $0xFFFFF380  }
0x75: {  	_ =	swait.ge [sflag:s5], $0xC80  }
0x76: {  	[sflag:s5] =	ssyncset.done $0x0  }
0x77: {  	[sflag:s5] =	ssyncadd.s32 $0xFFFFF380  }
0x78: {  	_ =	swait.ge [sflag:s5], $0xC80  }
0x79: {  	[sflag:s5] =	ssyncset.done $0x0  }
0x7a: {  	[sflag:s5] =	ssyncadd.s32 $0xFFFFF380  }
0x7b: {  	_ =	swait.ge [sflag:s5], $0xC80  }
0x7c: {  	[sflag:s5] =	ssyncset.done $0x0  }
0x7d: {  	[sflag:s5] =	ssyncadd.s32 $0xFFFFF380  }
0x7e: {  	_ =	swait.ge [sflag:s5], $0xC80  }
0x7f: {  	[sflag:s5] =	ssyncset.done $0x0  }
0x80: {  	[sflag:s5] =	ssyncadd.s32 $0xFFFFF380  }
0x81: {  	_ =	swait.ge [sflag:s5], $0xC80  }
.Ltmp0:
0x82: {  	[sflag:s5] =	ssyncset.done $0x0;
	(pc) =	sbr.rel @p0 .LBB2_3-.Ltmp0, $4  }
0x83: {  	[sflag:s5] =	ssyncadd.s32 $0xFFFFF380  }
0x84: {  	_ =	swait.ge [sflag:s5], $0xC80  }
0x85: {  	[sflag:s5] =	ssyncset.done $0x0  }
0x86: {  	[sflag:s5] =	ssyncadd.s32 $0xFFFFF380  }
0x87: {  	v0 =	vld [tilespmem:$0x4A10]  }
0x88: {  	v1 =	vld [tilespmem:$0x4A20]  }
0x89: {  	v2 =	vld [tilespmem:$0x4A30]  }
0x8a: {  	v3 =	vld [tilespmem:$0x4A40]  }
0x8b: {  	v4 =	vld [tilespmem:$0x4A50]  }
0x8c: {  	v5 =	vld [tilespmem:$0x4A60];
	vm0 =	vgt.s32 v0, $0x0  }
0x8d: {  	v6 =	vld [tilespmem:$0x4A70];
	vm5 =	vgt.s32 v1, $0x0;
	v0 =	vnsel vm0, $0x0, v0  }
0x8e: {  	v7 =	vld [tilespmem:$0x4A80];
	vm6 =	vgt.s32 v2, $0x0;
	v1 =	vnsel vm5, $0x0, v1;
	v0 =	vmin.u32 v0, $0x18888  }
0x8f: {  	v63 =	vld [tilespmem:$0x5690];
	vm7 =	vgt.s32 v3, $0x0;
	v62 =	vnsel vm6, $0x0, v2;
	v61 =	vmin.u32 v1, $0x18888;
	[tilespmem:$0x4A10] =	vst v0  }
0x90: {  	v10 =	vld [tilespmem:$0x56A0];
	vm8 =	vgt.s32 v4, $0x0;
	v9 =	vnsel vm7, $0x0, v3;
	v8 =	vmin.u32 v62, $0x18888;
	[tilespmem:$0x4A20] =	vst v61  }
0x91: {  	v13 =	vld [tilespmem:$0x56B0];
	vm9 =	vgt.s32 v5, $0x0;
	v12 =	vnsel vm8, $0x0, v4;
	v11 =	vmin.u32 v9, $0x18888;
	[tilespmem:$0x4A30] =	vst v8  }
0x92: {  	v16 =	vld [tilespmem:$0x56C0];
	vm10 =	vgt.s32 v6, $0x0;
	v15 =	vnsel vm9, $0x0, v5;
	v14 =	vmin.u32 v12, $0x18888;
	[tilespmem:$0x4A40] =	vst v11  }
0x93: {  	v19 =	vld [tilespmem:$0x56D0];
	vm11 =	vgt.s32 v7, $0x0;
	v18 =	vnsel vm10, $0x0, v6;
	v17 =	vmin.u32 v15, $0x18888;
	[tilespmem:$0x4A50] =	vst v14  }
0x94: {  	v22 =	vld [tilespmem:$0x56E0];
	vm12 =	vgt.s32 v63, $0x0;
	v21 =	vnsel vm11, $0x0, v7;
	v20 =	vmin.u32 v18, $0x18888;
	[tilespmem:$0x4A60] =	vst v17  }
0x95: {  	v25 =	vld [tilespmem:$0x56F0];
	vm13 =	vgt.s32 v10, $0x0;
	v24 =	vnsel vm12, $0x0, v63;
	v23 =	vmin.u32 v21, $0x18888;
	[tilespmem:$0x4A70] =	vst v20  }
0x96: {  	v28 =	vld [tilespmem:$0x5700];
	vm14 =	vgt.s32 v13, $0x0;
	v27 =	vnsel vm13, $0x0, v10;
	v26 =	vmin.u32 v24, $0x18888;
	[tilespmem:$0x4A80] =	vst v23  }
0x97: {  	v31 =	vld [tilespmem:$0x6310];
	vm15 =	vgt.s32 v16, $0x0;
	v30 =	vnsel vm14, $0x0, v13;
	v29 =	vmin.u32 v27, $0x18888;
	[tilespmem:$0x5690] =	vst v26  }
0x98: {  	v34 =	vld [tilespmem:$0x6320];
	vm4 =	vgt.s32 v19, $0x0;
	v33 =	vnsel vm15, $0x0, v16;
	v32 =	vmin.u32 v30, $0x18888;
	[tilespmem:$0x56A0] =	vst v29  }
0x99: {  	v37 =	vld [tilespmem:$0x6330];
	v36 =	vnsel vm4, $0x0, v19;
	vm5 =	vgt.s32 v22, $0x0;
	v35 =	vmin.u32 v33, $0x18888;
	[tilespmem:$0x56B0] =	vst v32  }
0x9a: {  	v40 =	vld [tilespmem:$0x6340];
	vm6 =	vgt.s32 v25, $0x0;
	v38 =	vmin.u32 v36, $0x18888;
	v39 =	vnsel vm5, $0x0, v22;
	[tilespmem:$0x56C0] =	vst v35  }
0x9b: {  	v43 =	vld [tilespmem:$0x6350];
	vm7 =	vgt.s32 v28, $0x0;
	v42 =	vnsel vm6, $0x0, v25;
	[tilespmem:$0x56D0] =	vst v38;
	v41 =	vmin.u32 v39, $0x18888  }
0x9c: {  	v46 =	vld [tilespmem:$0x6360];
	vm8 =	vgt.s32 v31, $0x0;
	v45 =	vnsel vm7, $0x0, v28;
	v44 =	vmin.u32 v42, $0x18888;
	[tilespmem:$0x56E0] =	vst v41  }
0x9d: {  	v49 =	vld [tilespmem:$0x6370];
	vm9 =	vgt.s32 v34, $0x0;
	v48 =	vnsel vm8, $0x0, v31;
	v47 =	vmin.u32 v45, $0x18888;
	[tilespmem:$0x56F0] =	vst v44  }
0x9e: {  	v52 =	vld [tilespmem:$0x6380];
	vm10 =	vgt.s32 v37, $0x0;
	v51 =	vnsel vm9, $0x0, v34;
	v50 =	vmin.u32 v48, $0x18888;
	[tilespmem:$0x5700] =	vst v47  }
0x9f: {  	vm11 =	vgt.s32 v40, $0x0;
	v54 =	vnsel vm10, $0x0, v37;
	v53 =	vmin.u32 v51, $0x18888;
	[tilespmem:$0x6310] =	vst v50  }
0xa0: {  	vm12 =	vgt.s32 v43, $0x0;
	v56 =	vnsel vm11, $0x0, v40;
	v55 =	vmin.u32 v54, $0x18888;
	[tilespmem:$0x6320] =	vst v53  }
0xa1: {  	vm13 =	vgt.s32 v46, $0x0;
	v58 =	vnsel vm12, $0x0, v43;
	v57 =	vmin.u32 v56, $0x18888;
	[tilespmem:$0x6330] =	vst v55  }
0xa2: {  	vm14 =	vgt.s32 v49, $0x0;
	v60 =	vnsel vm13, $0x0, v46;
	v59 =	vmin.u32 v58, $0x18888;
	[tilespmem:$0x6340] =	vst v57  }
0xa3: {  	vm15 =	vgt.s32 v52, $0x0;
	v62 =	vnsel vm14, $0x0, v49;
	v61 =	vmin.u32 v60, $0x18888;
	[tilespmem:$0x6350] =	vst v59  }
0xa4: {  	v63 =	vnsel vm15, $0x0, v52;
	v1 =	vmin.u32 v62, $0x18888;
	[tilespmem:$0x6360] =	vst v61  }
0xa5: {  	v0 =	vmin.u32 v63, $0x18888;
	[tilespmem:$0x6370] =	vst v1  }
0xa6: {  	[tilespmem:$0x6380] =	vst v0  }
.LBB2_3:
0xa7: {  	s11 =	simm.s32 $0x11F10  }
0xa8: {  	[tilespmem:s11], [sflag:$0x4] =	stream.indirect.gather [spmem:s23], $0x1, s31, s4, $0xb8;
	[tilespmem:$0x18F90] =	vst v63  }
0xa9: {  	s12 =	simm.s32 $0x12B90  }
0xaa: {  	[tilespmem:s12], [sflag:$0x4] =	stream.indirect.gather [spmem:s23], $0x1, s21, s4, $0xb8;
	[tilespmem:$0x18F90] =	vst v63  }
0xab: {  	s13 =	simm.s32 $0x13810  }
0xac: {  	[tilespmem:s13], [sflag:$0x4] =	stream.indirect.gather [spmem:s23], $0x1, s0, s4, $0xb8;
	[tilespmem:$0x18F90] =	vst v63  }
0xad: {  	_ =	swait.ge [sflag:s6], $0xC80  }
0xae: {  	[sflag:s6] =	ssyncset.done $0x0  }
0xaf: {  	[sflag:s6] =	ssyncadd.s32 $0xFFFFF380  }
0xb0: {  	_ =	swait.ge [sflag:s6], $0xC80  }
0xb1: {  	[sflag:s6] =	ssyncset.done $0x0  }
0xb2: {  	[sflag:s6] =	ssyncadd.s32 $0xFFFFF380  }
0xb3: {  	_ =	swait.ge [sflag:s6], $0xC80  }
0xb4: {  	[sflag:s6] =	ssyncset.done $0x0  }
0xb5: {  	s11 =	simm.s32 $0x3200;
	s12 =	simm.s32 $0x14510;
	[sflag:s6] =	ssyncadd.s32 $0xFFFFF380  }
.LBB2_4:
0xb6: {  	s13 =	sshra.s32 s11, $0x2  }
0xb7: {  	v0 =	vld [tilespmem:s13+$0xED10]  }
0xb8: {  	v1 =	vld [tilespmem:s13+$0xF990]  }
0xb9: {  	v2 =	vld [tilespmem:s13+$0x10610]  }
0xba: {  	v3 =	vld [tilespmem:s13+$0x5710]  }
0xbb: {  	v4 =	vld [tilespmem:s13+$0x6390]  }
0xbc: {  	v5 =	vld [tilespmem:s13+$0xA210]  }
0xbd: {  	v6 =	vld [tilespmem:s13+$0xAE90]  }
0xbe: {  	v7 =	vld [tilespmem:s13+$0x7010]  }
0xbf: {  	v8 =	vld [tilespmem:s13+$0xBB10];
	_ =	sdelay $0x1  }
0xc0: {  	v3 =	vmul.f32 v3, v0;
	v4 =	vmul.f32 v4, v1  }
0xc1: {  	v0 =	vmul.f32 v5, v0;
	v1 =	vmul.f32 v6, v1  }
0xc2: {  	v44 =	vmul.f32 v7, v2;
	v3 =	vadd.f32 v4, v3  }
0xc3: {  	v45 =	vmul.f32 v8, v2;
	v0 =	vadd.f32 v1, v0  }
0xc4: {  	v46 =	vadd.f32 v44, v3  }
0xc5: {  	v0 =	vadd.f32 v45, v0  }
0xc6: {  	[tilespmem:s12+$0xFFFFFF80] =	vst v46  }
0xc7: {  	[tilespmem:s12+$0x0] =	vst v0  }
0xc8: {  	v0 =	vld [tilespmem:s13+$0xED20]  }
0xc9: {  	v47 =	vld [tilespmem:s13+$0xF9A0]  }
0xca: {  	v2 =	vld [tilespmem:s13+$0x10620]  }
0xcb: {  	v48 =	vld [tilespmem:s13+$0x5720]  }
0xcc: {  	v49 =	vld [tilespmem:s13+$0x63A0]  }
0xcd: {  	v50 =	vld [tilespmem:s13+$0xA220]  }
0xce: {  	v51 =	vld [tilespmem:s13+$0xAEA0]  }
0xcf: {  	v52 =	vld [tilespmem:s13+$0x7020]  }
0xd0: {  	v53 =	vld [tilespmem:s13+$0xBB20];
	_ =	sdelay $0x1  }
0xd1: {  	v3 =	vmul.f32 v48, v0;
	v4 =	vmul.f32 v49, v47  }
0xd2: {  	v0 =	vmul.f32 v50, v0;
	v1 =	vmul.f32 v51, v47  }
0xd3: {  	v54 =	vmul.f32 v52, v2;
	v3 =	vadd.f32 v4, v3  }
0xd4: {  	v55 =	vmul.f32 v53, v2;
	v0 =	vadd.f32 v1, v0  }
0xd5: {  	v56 =	vadd.f32 v54, v3  }
0xd6: {  	v0 =	vadd.f32 v55, v0  }
0xd7: {  	[tilespmem:s12+$0xFFFFFF90] =	vst v56  }
0xd8: {  	[tilespmem:s12+$0x10] =	vst v0  }
0xd9: {  	v0 =	vld [tilespmem:s13+$0xED30]  }
0xda: {  	v57 =	vld [tilespmem:s13+$0xF9B0]  }
0xdb: {  	v2 =	vld [tilespmem:s13+$0x10630]  }
0xdc: {  	v58 =	vld [tilespmem:s13+$0x5730]  }
0xdd: {  	v59 =	vld [tilespmem:s13+$0x63B0]  }
0xde: {  	v60 =	vld [tilespmem:s13+$0xA230]  }
0xdf: {  	v61 =	vld [tilespmem:s13+$0xAEB0]  }
0xe0: {  	v62 =	vld [tilespmem:s13+$0x7030]  }
0xe1: {  	v63 =	vld [tilespmem:s13+$0xBB30];
	_ =	sdelay $0x1  }
0xe2: {  	v3 =	vmul.f32 v58, v0;
	v4 =	vmul.f32 v59, v57  }
0xe3: {  	v0 =	vmul.f32 v60, v0;
	v1 =	vmul.f32 v61, v57  }
0xe4: {  	v11 =	vmul.f32 v62, v2;
	v3 =	vadd.f32 v4, v3  }
0xe5: {  	v12 =	vmul.f32 v63, v2;
	v0 =	vadd.f32 v1, v0  }
0xe6: {  	v13 =	vadd.f32 v11, v3  }
0xe7: {  	v0 =	vadd.f32 v12, v0  }
0xe8: {  	[tilespmem:s12+$0xFFFFFFA0] =	vst v13  }
0xe9: {  	[tilespmem:s12+$0x20] =	vst v0  }
0xea: {  	v0 =	vld [tilespmem:s13+$0xED40]  }
0xeb: {  	v14 =	vld [tilespmem:s13+$0xF9C0]  }
0xec: {  	v2 =	vld [tilespmem:s13+$0x10640]  }
0xed: {  	v15 =	vld [tilespmem:s13+$0x5740]  }
0xee: {  	v16 =	vld [tilespmem:s13+$0x63C0]  }
0xef: {  	v17 =	vld [tilespmem:s13+$0xA240]  }
0xf0: {  	v18 =	vld [tilespmem:s13+$0xAEC0]  }
0xf1: {  	v19 =	vld [tilespmem:s13+$0x7040]  }
0xf2: {  	v20 =	vld [tilespmem:s13+$0xBB40];
	_ =	sdelay $0x1  }
0xf3: {  	v3 =	vmul.f32 v15, v0;
	v4 =	vmul.f32 v16, v14  }
0xf4: {  	v0 =	vmul.f32 v17, v0;
	v1 =	vmul.f32 v18, v14  }
0xf5: {  	v21 =	vmul.f32 v19, v2;
	v3 =	vadd.f32 v4, v3  }
0xf6: {  	v22 =	vmul.f32 v20, v2;
	v0 =	vadd.f32 v1, v0  }
0xf7: {  	v23 =	vadd.f32 v21, v3  }
0xf8: {  	v0 =	vadd.f32 v22, v0  }
0xf9: {  	[tilespmem:s12+$0xFFFFFFB0] =	vst v23  }
0xfa: {  	[tilespmem:s12+$0x30] =	vst v0  }
0xfb: {  	v0 =	vld [tilespmem:s13+$0xED50]  }
0xfc: {  	v24 =	vld [tilespmem:s13+$0xF9D0]  }
0xfd: {  	v2 =	vld [tilespmem:s13+$0x10650]  }
0xfe: {  	v25 =	vld [tilespmem:s13+$0x5750]  }
0xff: {  	v26 =	vld [tilespmem:s13+$0x63D0]  }
0x100: {  	v27 =	vld [tilespmem:s13+$0xA250]  }
0x101: {  	v28 =	vld [tilespmem:s13+$0xAED0]  }
0x102: {  	v29 =	vld [tilespmem:s13+$0x7050]  }
0x103: {  	v30 =	vld [tilespmem:s13+$0xBB50];
	_ =	sdelay $0x1  }
0x104: {  	v3 =	vmul.f32 v25, v0;
	v4 =	vmul.f32 v26, v24  }
0x105: {  	v0 =	vmul.f32 v27, v0;
	v1 =	vmul.f32 v28, v24  }
0x106: {  	v31 =	vmul.f32 v29, v2;
	v3 =	vadd.f32 v4, v3  }
0x107: {  	v32 =	vmul.f32 v30, v2;
	v0 =	vadd.f32 v1, v0  }
0x108: {  	v33 =	vadd.f32 v31, v3  }
0x109: {  	v0 =	vadd.f32 v32, v0  }
0x10a: {  	[tilespmem:s12+$0xFFFFFFC0] =	vst v33  }
0x10b: {  	[tilespmem:s12+$0x40] =	vst v0  }
0x10c: {  	v0 =	vld [tilespmem:s13+$0xED60]  }
0x10d: {  	v34 =	vld [tilespmem:s13+$0xF9E0]  }
0x10e: {  	v2 =	vld [tilespmem:s13+$0x10660]  }
0x10f: {  	v35 =	vld [tilespmem:s13+$0x5760]  }
0x110: {  	v36 =	vld [tilespmem:s13+$0x63E0]  }
0x111: {  	v37 =	vld [tilespmem:s13+$0xA260]  }
0x112: {  	v38 =	vld [tilespmem:s13+$0xAEE0]  }
0x113: {  	v39 =	vld [tilespmem:s13+$0x7060]  }
0x114: {  	v40 =	vld [tilespmem:s13+$0xBB60];
	_ =	sdelay $0x1  }
0x115: {  	v3 =	vmul.f32 v35, v0;
	v4 =	vmul.f32 v36, v34  }
0x116: {  	v0 =	vmul.f32 v37, v0;
	v1 =	vmul.f32 v38, v34  }
0x117: {  	v41 =	vmul.f32 v39, v2;
	v3 =	vadd.f32 v4, v3  }
0x118: {  	v42 =	vmul.f32 v40, v2;
	v0 =	vadd.f32 v1, v0  }
0x119: {  	v43 =	vadd.f32 v41, v3  }
0x11a: {  	v0 =	vadd.f32 v42, v0  }
0x11b: {  	[tilespmem:s12+$0xFFFFFFD0] =	vst v43  }
0x11c: {  	[tilespmem:s12+$0x50] =	vst v0  }
0x11d: {  	v0 =	vld [tilespmem:s13+$0xED70]  }
0x11e: {  	v44 =	vld [tilespmem:s13+$0xF9F0]  }
0x11f: {  	v2 =	vld [tilespmem:s13+$0x10670]  }
0x120: {  	v45 =	vld [tilespmem:s13+$0x5770]  }
0x121: {  	v46 =	vld [tilespmem:s13+$0x63F0]  }
0x122: {  	v47 =	vld [tilespmem:s13+$0xA270]  }
0x123: {  	v48 =	vld [tilespmem:s13+$0xAEF0]  }
0x124: {  	v49 =	vld [tilespmem:s13+$0x7070]  }
0x125: {  	v50 =	vld [tilespmem:s13+$0xBB70];
	_ =	sdelay $0x1  }
0x126: {  	v3 =	vmul.f32 v45, v0;
	v4 =	vmul.f32 v46, v44  }
0x127: {  	v0 =	vmul.f32 v47, v0;
	v1 =	vmul.f32 v48, v44  }
0x128: {  	v51 =	vmul.f32 v49, v2;
	v3 =	vadd.f32 v4, v3  }
0x129: {  	v52 =	vmul.f32 v50, v2;
	v0 =	vadd.f32 v1, v0  }
0x12a: {  	v53 =	vadd.f32 v51, v3  }
0x12b: {  	v0 =	vadd.f32 v52, v0  }
0x12c: {  	[tilespmem:s12+$0xFFFFFFE0] =	vst v53  }
0x12d: {  	[tilespmem:s12+$0x60] =	vst v0  }
0x12e: {  	v0 =	vld [tilespmem:s13+$0xED80]  }
0x12f: {  	v54 =	vld [tilespmem:s13+$0xFA00]  }
0x130: {  	v2 =	vld [tilespmem:s13+$0x10680]  }
0x131: {  	v55 =	vld [tilespmem:s13+$0x5780]  }
0x132: {  	v56 =	vld [tilespmem:s13+$0x6400]  }
0x133: {  	v57 =	vld [tilespmem:s13+$0xA280]  }
0x134: {  	v58 =	vld [tilespmem:s13+$0xAF00]  }
0x135: {  	v59 =	vld [tilespmem:s13+$0x7080]  }
0x136: {  	v60 =	vld [tilespmem:s13+$0xBB80];
	_ =	sdelay $0x1  }
0x137: {  	v3 =	vmul.f32 v55, v0;
	v4 =	vmul.f32 v56, v54  }
0x138: {  	v0 =	vmul.f32 v57, v0;
	v1 =	vmul.f32 v58, v54  }
0x139: {  	p1 =	sne.s32 s11, $0x6200;
	v61 =	vmul.f32 v59, v2;
	v3 =	vadd.f32 v4, v3  }
.Ltmp1:
0x13a: {  	v62 =	vmul.f32 v60, v2;
	v0 =	vadd.f32 v1, v0;
	(pc) =	sbr.rel @p1 .LBB2_4-.Ltmp1, $4  }
0x13b: {  	v63 =	vadd.f32 v61, v3  }
0x13c: {  	v0 =	vadd.f32 v62, v0  }
0x13d: {  	[tilespmem:s12+$0xFFFFFFF0] =	vst v63  }
0x13e: {  	s11 =	sadd.s32 $0x200, s11;
	[tilespmem:s12+$0x70] =	vst v0;
	s12 =	sadd.s32 $0x100, s12  }
0x13f: {  	s11 =	simm.s32 $0x14490  }
0x140: {  	[hbm4b:s22+s20] =	stream.linear.scatter [tilespmem:s11], [sflag:$0x5], $0x1900, $0x38;
	[tilespmem:$0x18F90] =	vst v63  }
0x141: {  	_ =	swait.ge [sflag:s7], $0xC80  }
0x142: {  	[sflag:s7] =	ssyncset.done $0x0  }
0x143: {  	[sflag:s7] =	ssyncadd.s32 $0xFFFFF380  }
0x144: {  	_ =	swait.ge [sflag:s7], $0xC80  }
0x145: {  	[sflag:s7] =	ssyncset.done $0x0  }
0x146: {  	[sflag:s7] =	ssyncadd.s32 $0xFFFFF380  }
0x147: {  	_ =	swait.ge [sflag:s7], $0xC80  }
0x148: {  	[sflag:s7] =	ssyncset.done $0x0  }
0x149: {  	s12 =	simm.s32 $0x15E10;
	s11 =	simm.s32 $0x3200;
	[sflag:s7] =	ssyncadd.s32 $0xFFFFF380  }
.LBB2_6:
0x14a: {  	s13 =	sshra.s32 s11, $0x2  }
0x14b: {  	v0 =	vld [tilespmem:s13+$0x11290]  }
0x14c: {  	v1 =	vld [tilespmem:s13+$0x11F10]  }
0x14d: {  	v2 =	vld [tilespmem:s13+$0x12B90]  }
0x14e: {  	v3 =	vld [tilespmem:s13+$0x7C90]  }
0x14f: {  	v4 =	vld [tilespmem:s13+$0x8910]  }
0x150: {  	v5 =	vld [tilespmem:s13+$0xC790]  }
0x151: {  	v6 =	vld [tilespmem:s13+$0xD410]  }
0x152: {  	v7 =	vld [tilespmem:s13+$0x9590]  }
0x153: {  	v8 =	vld [tilespmem:s13+$0xE090];
	_ =	sdelay $0x1  }
0x154: {  	v3 =	vmul.f32 v3, v0;
	v4 =	vmul.f32 v4, v1  }
0x155: {  	v0 =	vmul.f32 v5, v0;
	v1 =	vmul.f32 v6, v1  }
0x156: {  	v44 =	vmul.f32 v7, v2;
	v3 =	vadd.f32 v4, v3  }
0x157: {  	v45 =	vmul.f32 v8, v2;
	v0 =	vadd.f32 v1, v0  }
0x158: {  	v46 =	vadd.f32 v44, v3  }
0x159: {  	v0 =	vadd.f32 v45, v0  }
0x15a: {  	[tilespmem:s12+$0xFFFFFF80] =	vst v46  }
0x15b: {  	[tilespmem:s12+$0x0] =	vst v0  }
0x15c: {  	v0 =	vld [tilespmem:s13+$0x112A0]  }
0x15d: {  	v47 =	vld [tilespmem:s13+$0x11F20]  }
0x15e: {  	v2 =	vld [tilespmem:s13+$0x12BA0]  }
0x15f: {  	v48 =	vld [tilespmem:s13+$0x7CA0]  }
0x160: {  	v49 =	vld [tilespmem:s13+$0x8920]  }
0x161: {  	v50 =	vld [tilespmem:s13+$0xC7A0]  }
0x162: {  	v51 =	vld [tilespmem:s13+$0xD420]  }
0x163: {  	v52 =	vld [tilespmem:s13+$0x95A0]  }
0x164: {  	v53 =	vld [tilespmem:s13+$0xE0A0];
	_ =	sdelay $0x1  }
0x165: {  	v3 =	vmul.f32 v48, v0;
	v4 =	vmul.f32 v49, v47  }
0x166: {  	v0 =	vmul.f32 v50, v0;
	v1 =	vmul.f32 v51, v47  }
0x167: {  	v54 =	vmul.f32 v52, v2;
	v3 =	vadd.f32 v4, v3  }
0x168: {  	v55 =	vmul.f32 v53, v2;
	v0 =	vadd.f32 v1, v0  }
0x169: {  	v56 =	vadd.f32 v54, v3  }
0x16a: {  	v0 =	vadd.f32 v55, v0  }
0x16b: {  	[tilespmem:s12+$0xFFFFFF90] =	vst v56  }
0x16c: {  	[tilespmem:s12+$0x10] =	vst v0  }
0x16d: {  	v0 =	vld [tilespmem:s13+$0x112B0]  }
0x16e: {  	v57 =	vld [tilespmem:s13+$0x11F30]  }
0x16f: {  	v2 =	vld [tilespmem:s13+$0x12BB0]  }
0x170: {  	v58 =	vld [tilespmem:s13+$0x7CB0]  }
0x171: {  	v59 =	vld [tilespmem:s13+$0x8930]  }
0x172: {  	v60 =	vld [tilespmem:s13+$0xC7B0]  }
0x173: {  	v61 =	vld [tilespmem:s13+$0xD430]  }
0x174: {  	v62 =	vld [tilespmem:s13+$0x95B0]  }
0x175: {  	v63 =	vld [tilespmem:s13+$0xE0B0];
	_ =	sdelay $0x1  }
0x176: {  	v3 =	vmul.f32 v58, v0;
	v4 =	vmul.f32 v59, v57  }
0x177: {  	v0 =	vmul.f32 v60, v0;
	v1 =	vmul.f32 v61, v57  }
0x178: {  	v11 =	vmul.f32 v62, v2;
	v3 =	vadd.f32 v4, v3  }
0x179: {  	v12 =	vmul.f32 v63, v2;
	v0 =	vadd.f32 v1, v0  }
0x17a: {  	v13 =	vadd.f32 v11, v3  }
0x17b: {  	v0 =	vadd.f32 v12, v0  }
0x17c: {  	[tilespmem:s12+$0xFFFFFFA0] =	vst v13  }
0x17d: {  	[tilespmem:s12+$0x20] =	vst v0  }
0x17e: {  	v0 =	vld [tilespmem:s13+$0x112C0]  }
0x17f: {  	v14 =	vld [tilespmem:s13+$0x11F40]  }
0x180: {  	v2 =	vld [tilespmem:s13+$0x12BC0]  }
0x181: {  	v15 =	vld [tilespmem:s13+$0x7CC0]  }
0x182: {  	v16 =	vld [tilespmem:s13+$0x8940]  }
0x183: {  	v17 =	vld [tilespmem:s13+$0xC7C0]  }
0x184: {  	v18 =	vld [tilespmem:s13+$0xD440]  }
0x185: {  	v19 =	vld [tilespmem:s13+$0x95C0]  }
0x186: {  	v20 =	vld [tilespmem:s13+$0xE0C0];
	_ =	sdelay $0x1  }
0x187: {  	v3 =	vmul.f32 v15, v0;
	v4 =	vmul.f32 v16, v14  }
0x188: {  	v0 =	vmul.f32 v17, v0;
	v1 =	vmul.f32 v18, v14  }
0x189: {  	v21 =	vmul.f32 v19, v2;
	v3 =	vadd.f32 v4, v3  }
0x18a: {  	v22 =	vmul.f32 v20, v2;
	v0 =	vadd.f32 v1, v0  }
0x18b: {  	v23 =	vadd.f32 v21, v3  }
0x18c: {  	v0 =	vadd.f32 v22, v0  }
0x18d: {  	[tilespmem:s12+$0xFFFFFFB0] =	vst v23  }
0x18e: {  	[tilespmem:s12+$0x30] =	vst v0  }
0x18f: {  	v0 =	vld [tilespmem:s13+$0x112D0]  }
0x190: {  	v24 =	vld [tilespmem:s13+$0x11F50]  }
0x191: {  	v2 =	vld [tilespmem:s13+$0x12BD0]  }
0x192: {  	v25 =	vld [tilespmem:s13+$0x7CD0]  }
0x193: {  	v26 =	vld [tilespmem:s13+$0x8950]  }
0x194: {  	v27 =	vld [tilespmem:s13+$0xC7D0]  }
0x195: {  	v28 =	vld [tilespmem:s13+$0xD450]  }
0x196: {  	v29 =	vld [tilespmem:s13+$0x95D0]  }
0x197: {  	v30 =	vld [tilespmem:s13+$0xE0D0];
	_ =	sdelay $0x1  }
0x198: {  	v3 =	vmul.f32 v25, v0;
	v4 =	vmul.f32 v26, v24  }
0x199: {  	v0 =	vmul.f32 v27, v0;
	v1 =	vmul.f32 v28, v24  }
0x19a: {  	v31 =	vmul.f32 v29, v2;
	v3 =	vadd.f32 v4, v3  }
0x19b: {  	v32 =	vmul.f32 v30, v2;
	v0 =	vadd.f32 v1, v0  }
0x19c: {  	v33 =	vadd.f32 v31, v3  }
0x19d: {  	v0 =	vadd.f32 v32, v0  }
0x19e: {  	[tilespmem:s12+$0xFFFFFFC0] =	vst v33  }
0x19f: {  	[tilespmem:s12+$0x40] =	vst v0  }
0x1a0: {  	v0 =	vld [tilespmem:s13+$0x112E0]  }
0x1a1: {  	v34 =	vld [tilespmem:s13+$0x11F60]  }
0x1a2: {  	v2 =	vld [tilespmem:s13+$0x12BE0]  }
0x1a3: {  	v35 =	vld [tilespmem:s13+$0x7CE0]  }
0x1a4: {  	v36 =	vld [tilespmem:s13+$0x8960]  }
0x1a5: {  	v37 =	vld [tilespmem:s13+$0xC7E0]  }
0x1a6: {  	v38 =	vld [tilespmem:s13+$0xD460]  }
0x1a7: {  	v39 =	vld [tilespmem:s13+$0x95E0]  }
0x1a8: {  	v40 =	vld [tilespmem:s13+$0xE0E0];
	_ =	sdelay $0x1  }
0x1a9: {  	v3 =	vmul.f32 v35, v0;
	v4 =	vmul.f32 v36, v34  }
0x1aa: {  	v0 =	vmul.f32 v37, v0;
	v1 =	vmul.f32 v38, v34  }
0x1ab: {  	v41 =	vmul.f32 v39, v2;
	v3 =	vadd.f32 v4, v3  }
0x1ac: {  	v42 =	vmul.f32 v40, v2;
	v0 =	vadd.f32 v1, v0  }
0x1ad: {  	v43 =	vadd.f32 v41, v3  }
0x1ae: {  	v0 =	vadd.f32 v42, v0  }
0x1af: {  	[tilespmem:s12+$0xFFFFFFD0] =	vst v43  }
0x1b0: {  	[tilespmem:s12+$0x50] =	vst v0  }
0x1b1: {  	v0 =	vld [tilespmem:s13+$0x112F0]  }
0x1b2: {  	v44 =	vld [tilespmem:s13+$0x11F70]  }
0x1b3: {  	v2 =	vld [tilespmem:s13+$0x12BF0]  }
0x1b4: {  	v45 =	vld [tilespmem:s13+$0x7CF0]  }
0x1b5: {  	v46 =	vld [tilespmem:s13+$0x8970]  }
0x1b6: {  	v47 =	vld [tilespmem:s13+$0xC7F0]  }
0x1b7: {  	v48 =	vld [tilespmem:s13+$0xD470]  }
0x1b8: {  	v49 =	vld [tilespmem:s13+$0x95F0]  }
0x1b9: {  	v50 =	vld [tilespmem:s13+$0xE0F0];
	_ =	sdelay $0x1  }
0x1ba: {  	v3 =	vmul.f32 v45, v0;
	v4 =	vmul.f32 v46, v44  }
0x1bb: {  	v0 =	vmul.f32 v47, v0;
	v1 =	vmul.f32 v48, v44  }
0x1bc: {  	v51 =	vmul.f32 v49, v2;
	v3 =	vadd.f32 v4, v3  }
0x1bd: {  	v52 =	vmul.f32 v50, v2;
	v0 =	vadd.f32 v1, v0  }
0x1be: {  	v53 =	vadd.f32 v51, v3  }
0x1bf: {  	v0 =	vadd.f32 v52, v0  }
0x1c0: {  	[tilespmem:s12+$0xFFFFFFE0] =	vst v53  }
0x1c1: {  	[tilespmem:s12+$0x60] =	vst v0  }
0x1c2: {  	v0 =	vld [tilespmem:s13+$0x11300]  }
0x1c3: {  	v54 =	vld [tilespmem:s13+$0x11F80]  }
0x1c4: {  	v2 =	vld [tilespmem:s13+$0x12C00]  }
0x1c5: {  	v55 =	vld [tilespmem:s13+$0x7D00]  }
0x1c6: {  	v56 =	vld [tilespmem:s13+$0x8980]  }
0x1c7: {  	v57 =	vld [tilespmem:s13+$0xC800]  }
0x1c8: {  	v58 =	vld [tilespmem:s13+$0xD480]  }
0x1c9: {  	v59 =	vld [tilespmem:s13+$0x9600]  }
0x1ca: {  	v60 =	vld [tilespmem:s13+$0xE100];
	_ =	sdelay $0x1  }
0x1cb: {  	v3 =	vmul.f32 v55, v0;
	v4 =	vmul.f32 v56, v54  }
0x1cc: {  	v0 =	vmul.f32 v57, v0;
	v1 =	vmul.f32 v58, v54  }
0x1cd: {  	p1 =	sne.s32 s11, $0x6200;
	v61 =	vmul.f32 v59, v2;
	v3 =	vadd.f32 v4, v3  }
.Ltmp2:
0x1ce: {  	v62 =	vmul.f32 v60, v2;
	v0 =	vadd.f32 v1, v0;
	(pc) =	sbr.rel @p1 .LBB2_6-.Ltmp2, $4  }
0x1cf: {  	v63 =	vadd.f32 v61, v3  }
0x1d0: {  	v0 =	vadd.f32 v62, v0  }
0x1d1: {  	[tilespmem:s12+$0xFFFFFFF0] =	vst v63  }
0x1d2: {  	s11 =	sadd.s32 $0x200, s11;
	[tilespmem:s12+$0x70] =	vst v0;
	s12 =	sadd.s32 $0x100, s12  }
0x1d3: {  	s11 =	simm.s32 $0x15D90;
	s10 =	sadd.s32 $0x1, s10  }
0x1d4: {  	[hbm4b:s24+s20] =	stream.linear.scatter [tilespmem:s11], [sflag:$0x6], $0x1900, $0x38;
	[tilespmem:$0x18F90] =	vst v63  }
0x1d5: {  	p1 =	sne.s32 s10, s26;
	_ =	swait.ge [sflag:s8], $0x1900  }
.Ltmp3:
0x1d6: {  	[sflag:s8] =	ssyncset.done $0x0;
	(pc) =	sbr.rel @p1 .LBB2_1-.Ltmp3, $4  }
0x1d7: {  	[sflag:s8] =	ssyncadd.s32 $0xFFFFE700  }
0x1d8: {  	_ =	swait.ge [sflag:s9], $0x1900  }
0x1d9: {  	[sflag:s9] =	ssyncset.done $0x0  }
0x1da: {  	[sflag:s9] =	ssyncadd.s32 $0xFFFFE700  }
0x1db: {  	_ =	sfence.sel $0x180000  }
0x1dc: {  	[bflag:$0x0] =	sbarrier.arrive $0xFFFF  }
0x1dd: {  	_ =	strace $0x90000047  }
0x1de: {  	s0 =	stileid.u32;
	[bflag:$0x2] =	sbarrier.arrive $0xFFFF  }
0x1df: {  	p0 =	sne.s32 s0, $0x0;
	s0 =	rddreg [dreg:$0x3]  }
0x1e0: {  	s0 =	sadd.s32 @!p0 $0x100000, s0  }
0x1e1: {  	[sflag:s0] =	ssyncadd.tile.s32 @!p0 $0x1;
	_ =	shalt  }
.Lfunc_end2:
_tile_overlayer_lowered:
.L_overlay_start_2:
0x1e2: {  	(tag) =	ssettag $0x2  }
0x1e3: {  	s0 =	rddreg [dreg:$0x0];
	s2 =	stileid.u32  }
0x1e4: {  	s1 =	rddreg [dreg:$0x1];
	p0 =	sne.s32 s2, $0x0  }
0x1e5: {  	s3 =	rddreg [dreg:$0x2];
	[bflag:$0x3] =	sbarrier.arrive $0xFFFF;
	s2 =	simm.s32 @!p0 $0x1C07  }
0x1e6: {  	[timem:s3], [sflag:s2] =	dma.local @!p0 [hbm:s0], s1  }
0x1e7: {  	s0 =	simm.s32 @!p0 $0x7  }
0x1e8: {  	_ =	swait.ge @!p0 [sflag:s0], s1  }
0x1e9: {  	s1 =	ssub.s32 @!p0 $0x0, s1;
	[sflag:s0] =	ssyncset.done @!p0 $0x0  }
0x1ea: {  	[sflag:s0] =	ssyncadd.s32 @!p0 s1  }
0x1eb: {  	[bflag:$0x3] =	sbarrier.arrive $0xFFFF  }
0x1ec: {  	_ =	shalt  }

</sc_bundles>
